<compile_context>
chip_gen: v7x
topology: tpu7x:2x2x1
jax: 0.10.2.dev20260603
libtpu: 0.0.44.dev20260713+nightly
codegen_flags: <defaults>
</compile_context>

<pallas_src>
import functools

import jax
import jax.numpy as jnp
from jax import lax
from jax.experimental import pallas as pl
from jax.experimental.pallas import tpu as pltpu
from jax.experimental.pallas import tpu_sc as plsc

EMBED_DIM = 64
MAX_REL_POS = 128
LENGTH_Q = 2048
LENGTH_K = 2048

NUM_CORES = 2
NUM_SUBCORES = 16
NUM_WORKERS = NUM_CORES * NUM_SUBCORES

N_STAG = 8
MID_OFF = LENGTH_Q - MAX_REL_POS
MID_W = 2 * MAX_REL_POS
SROW = 4112
LO_W = MID_OFF
STRIP_OFF = MID_OFF - 16
STRIP_W = 384
HI_OFF = STRIP_OFF + STRIP_W
HI_W = SROW - HI_OFF

E_SLICE = 2
BLOCK_WORDS = EMBED_DIM * LENGTH_K


def _sc_band_kernel(lo_hbm, strip_hbm, hi_hbm, out_hbm, band_v, sem):
    cid = lax.axis_index("c")
    sid = lax.axis_index("s")
    wid = sid * NUM_CORES + cid

    for phi in range(N_STAG):
        for r in range(E_SLICE):
            e = wid * E_SLICE + r
            row = (phi * E_SLICE + r) * SROW
            pltpu.sync_copy(lo_hbm.at[pl.ds(e * LO_W, LO_W)],
                            band_v.at[pl.ds(row, LO_W)])
            pltpu.sync_copy(
                strip_hbm.at[pl.ds((phi * EMBED_DIM + e) * STRIP_W, STRIP_W)],
                band_v.at[pl.ds(row + STRIP_OFF, STRIP_W)])
            pltpu.sync_copy(hi_hbm.at[pl.ds(e * HI_W, HI_W)],
                            band_v.at[pl.ds(row + HI_OFF, HI_W)])

    def block_body(i, _):
        s = (LENGTH_Q - 1) - i
        phi = jnp.bitwise_and(s, N_STAG - 1)
        sa = pl.multiple_of(s - phi, N_STAG)
        dst_base = i * BLOCK_WORDS + wid * (E_SLICE * LENGTH_K)
        for r in range(E_SLICE):
            pltpu.async_copy(
                band_v.at[pl.ds((phi * E_SLICE + r) * SROW + sa, LENGTH_K)],
                out_hbm.at[pl.ds(dst_base + r * LENGTH_K, LENGTH_K)],
                sem)
        return 0

    lax.fori_loop(0, LENGTH_Q, block_body, 0)
    drain_words = 32768
    n_drains = LENGTH_Q * E_SLICE * LENGTH_K // drain_words

    def drain_body(n, _):
        pltpu.make_async_copy(out_hbm.at[pl.ds(0, drain_words)],
                              band_v.at[pl.ds(0, drain_words)], sem).wait()
        return 0

    lax.fori_loop(0, n_drains, drain_body, 0)


@functools.partial(
    pl.kernel,
    out_type=jax.ShapeDtypeStruct((LENGTH_Q * EMBED_DIM * LENGTH_K,),
                                  jnp.float32),
    mesh=plsc.VectorSubcoreMesh(core_axis_name="c", subcore_axis_name="s"),
    scratch_types=[
        pltpu.VMEM((N_STAG * E_SLICE * SROW,), jnp.float32),
        pltpu.SemaphoreType.DMA,
    ],
)
def _band_expand_and_replicate(lo_hbm, strip_hbm, hi_hbm, out_hbm, *scratch):
    _sc_band_kernel(lo_hbm, strip_hbm, hi_hbm, out_hbm, *scratch)


def kernel(length_q, length_k, embeddings_table):
    table_t = embeddings_table.T
    lo = jnp.broadcast_to(table_t[:, :1], (EMBED_DIM, LO_W)).reshape(-1)
    hi = jnp.broadcast_to(table_t[:, -1:], (EMBED_DIM, HI_W)).reshape(-1)
    strips = []
    for phi in range(N_STAG):
        lo_pad = 16 - phi
        hi_pad = STRIP_W - MID_W - lo_pad
        strips.append(jnp.concatenate(
            [jnp.broadcast_to(table_t[:, :1], (EMBED_DIM, lo_pad)),
             table_t[:, 1:],
             jnp.broadcast_to(table_t[:, -1:], (EMBED_DIM, hi_pad))],
            axis=1))
    strip = jnp.stack(strips).reshape(-1)
    flat = _band_expand_and_replicate(lo, strip, hi)
    return flat.reshape(LENGTH_Q, EMBED_DIM, LENGTH_K).transpose(0, 2, 1)

# --- scband reference (transcript-rebuilt; emitter-appended) ---
"""Pipeline reference for scband-relative-position-3410204033024 (READ-ONLY COPY).

The authoritative reference and input builder live on the scoring server;
editing this copy changes nothing except your own understanding.
"""

import jax, jax.numpy as jnp
import numpy as np

EMBED_DIM = 64
MAX_REL_POS = 128
LENGTH_Q = 2048
LENGTH_K = 2048


def setup_inputs(seed: int = 0) -> dict:
    key = jax.random.key(seed)
    num_rows = MAX_REL_POS * 2 + 1
    # xavier_uniform init: bound = sqrt(6 / (fan_in + fan_out))
    bound = float(np.sqrt(6.0 / (num_rows + EMBED_DIM)))
    embeddings_table = jax.random.uniform(
        key, (num_rows, EMBED_DIM), dtype=jnp.float32, minval=-bound, maxval=bound
    )
    return {
        "length_q": 2048,
        "length_k": 2048,
        "embeddings_table": embeddings_table,
    }


def reference(length_q, length_k, embeddings_table):
    range_vec_q = jnp.arange(LENGTH_Q) + (length_q - LENGTH_Q)
    range_vec_k = jnp.arange(LENGTH_K) + (length_k - LENGTH_K)
    distance_mat = range_vec_k[None, :] - range_vec_q[:, None]
    distance_mat_clipped = jnp.clip(distance_mat, -MAX_REL_POS, MAX_REL_POS)
    final_mat = (distance_mat_clipped + MAX_REL_POS).astype(jnp.int32)
    embeddings = jnp.take(embeddings_table, final_mat, axis=0)
    return embeddings

if __name__ == "__main__":
    import jax
    _d = setup_inputs()
    print(jax.jit(kernel)(*tuple(_d.values())))

</pallas_src>

<mosaic_0001>
#map = affine_map<(d0, d1) -> (0)>
module attributes {stable_mosaic.version = 14 : i64} {
  func.func @_band_expand_and_replicate(%arg0: i32, %arg1: i32, %arg2: memref<122880xf32, #tpu.memory_space<hbm>>, %arg3: memref<196608xf32, #tpu.memory_space<hbm>>, %arg4: memref<116736xf32, #tpu.memory_space<hbm>>, %arg5: memref<268435456xf32, #tpu.memory_space<hbm>>, %arg6: memref<65792xf32, #tpu.memory_space<vmem>>, %arg7: memref<!tpu.dma_semaphore, #tpu.memory_space<semaphore_mem>>) attributes {dimension_semantics = [#tpu.dimension_semantics<core_parallel>, #tpu.dimension_semantics<subcore_parallel>], iteration_bounds = array<i64: 2, 16>, scalar_prefetch = 0 : i64, scratch_operands = 2 : i64, tpu.core_type = #tpu.core_type<sc_vector_subcore>, window_params = [{transform_indices = #map}, {transform_indices = #map}, {transform_indices = #map}, {transform_indices = #map}]} {
    %mul3A = arith.constant 2 : i32
    %mul3A_0 = arith.muli %arg1, %mul3A : i32
    %add3A = arith.addi %mul3A_0, %arg0 : i32
    %mul3A_1 = arith.constant 2 : i32
    %mul3A_2 = arith.muli %add3A, %mul3A_1 : i32
    %add3A_3 = arith.constant 0 : i32
    %add3A_4 = arith.addi %mul3A_2, %add3A_3 : i32
    %mul3A_5 = arith.constant 1920 : i32
    %mul3A_6 = arith.muli %add3A_4, %mul3A_5 : i32
    "tpu.region"() ({
      %run_scoped3A = tpu.sem_alloc : memref<!tpu.dma_semaphore, #tpu.memory_space<semaphore_mem>>
      %dma_start3A = arith.constant 0 : i32
      %dma_start3A_206 = tpu.memref_slice %arg6[%dma_start3A] : memref<65792xf32, #tpu.memory_space<vmem>> -> memref<1920xf32, #tpu.memory_space<vmem>>
      %dma_start3A_207 = tpu.memref_slice %arg2[%mul3A_6] : memref<122880xf32, #tpu.memory_space<hbm>> -> memref<1920xf32, #tpu.memory_space<hbm>>
      %dma_start3A_208 = arith.constant 0 : i32
      %dma_start3A_209 = tpu.memref_slice %arg6[%dma_start3A_208] : memref<65792xf32, #tpu.memory_space<vmem>> -> memref<1920xf32, #tpu.memory_space<vmem>>
      %dma_start3A_210 = tpu.memref_slice %arg2[%mul3A_6] : memref<122880xf32, #tpu.memory_space<hbm>> -> memref<1920xf32, #tpu.memory_space<hbm>>
      tpu.enqueue_dma source(%dma_start3A_210 : memref<1920xf32, #tpu.memory_space<hbm>>) target(%dma_start3A_209 : memref<1920xf32, #tpu.memory_space<vmem>>) target_semaphore(%run_scoped3A : memref<!tpu.dma_semaphore, #tpu.memory_space<semaphore_mem>>)
      %dma_wait3A = arith.constant 0 : i32
      %dma_wait3A_211 = tpu.memref_slice %arg6[%dma_wait3A] : memref<65792xf32, #tpu.memory_space<vmem>> -> memref<1920xf32, #tpu.memory_space<vmem>>
      %dma_wait3A_212 = tpu.memref_slice %arg2[%mul3A_6] : memref<122880xf32, #tpu.memory_space<hbm>> -> memref<1920xf32, #tpu.memory_space<hbm>>
      %dma_wait3A_213 = arith.constant 0 : i32
      %dma_wait3A_214 = tpu.memref_slice %arg6[%dma_wait3A_213] : memref<65792xf32, #tpu.memory_space<vmem>> -> memref<1920xf32, #tpu.memory_space<vmem>>
      %dma_wait3A_215 = tpu.memref_slice %arg2[%mul3A_6] : memref<122880xf32, #tpu.memory_space<hbm>> -> memref<1920xf32, #tpu.memory_space<hbm>>
      tpu.wait_dma2 semaphore(%run_scoped3A : memref<!tpu.dma_semaphore, #tpu.memory_space<semaphore_mem>>) src(%dma_wait3A_215 : memref<1920xf32, #tpu.memory_space<hbm>>) dst(%dma_wait3A_214 : memref<1920xf32, #tpu.memory_space<vmem>>)
      tpu.yield
    }) : () -> ()
    %add3A_7 = arith.constant 0 : i32
    %add3A_8 = arith.addi %add3A_7, %add3A_4 : i32
    %mul3A_9 = arith.constant 384 : i32
    %mul3A_10 = arith.muli %add3A_8, %mul3A_9 : i32
    "tpu.region"() ({
      %run_scoped3A = tpu.sem_alloc : memref<!tpu.dma_semaphore, #tpu.memory_space<semaphore_mem>>
      %dma_start3A = arith.constant 1904 : i32
      %dma_start3A_206 = tpu.memref_slice %arg6[%dma_start3A] : memref<65792xf32, #tpu.memory_space<vmem>> -> memref<384xf32, #tpu.memory_space<vmem>>
      %dma_start3A_207 = tpu.memref_slice %arg3[%mul3A_10] : memref<196608xf32, #tpu.memory_space<hbm>> -> memref<384xf32, #tpu.memory_space<hbm>>
      %dma_start3A_208 = arith.constant 1904 : i32
      %dma_start3A_209 = tpu.memref_slice %arg6[%dma_start3A_208] : memref<65792xf32, #tpu.memory_space<vmem>> -> memref<384xf32, #tpu.memory_space<vmem>>
      %dma_start3A_210 = tpu.memref_slice %arg3[%mul3A_10] : memref<196608xf32, #tpu.memory_space<hbm>> -> memref<384xf32, #tpu.memory_space<hbm>>
      tpu.enqueue_dma source(%dma_start3A_210 : memref<384xf32, #tpu.memory_space<hbm>>) target(%dma_start3A_209 : memref<384xf32, #tpu.memory_space<vmem>>) target_semaphore(%run_scoped3A : memref<!tpu.dma_semaphore, #tpu.memory_space<semaphore_mem>>)
      %dma_wait3A = arith.constant 1904 : i32
      %dma_wait3A_211 = tpu.memref_slice %arg6[%dma_wait3A] : memref<65792xf32, #tpu.memory_space<vmem>> -> memref<384xf32, #tpu.memory_space<vmem>>
      %dma_wait3A_212 = tpu.memref_slice %arg3[%mul3A_10] : memref<196608xf32, #tpu.memory_space<hbm>> -> memref<384xf32, #tpu.memory_space<hbm>>
      %dma_wait3A_213 = arith.constant 1904 : i32
      %dma_wait3A_214 = tpu.memref_slice %arg6[%dma_wait3A_213] : memref<65792xf32, #tpu.memory_space<vmem>> -> memref<384xf32, #tpu.memory_space<vmem>>
      %dma_wait3A_215 = tpu.memref_slice %arg3[%mul3A_10] : memref<196608xf32, #tpu.memory_space<hbm>> -> memref<384xf32, #tpu.memory_space<hbm>>
      tpu.wait_dma2 semaphore(%run_scoped3A : memref<!tpu.dma_semaphore, #tpu.memory_space<semaphore_mem>>) src(%dma_wait3A_215 : memref<384xf32, #tpu.memory_space<hbm>>) dst(%dma_wait3A_214 : memref<384xf32, #tpu.memory_space<vmem>>)
      tpu.yield
    }) : () -> ()
    %mul3A_11 = arith.constant 1824 : i32
    %mul3A_12 = arith.muli %add3A_4, %mul3A_11 : i32
    "tpu.region"() ({
      %run_scoped3A = tpu.sem_alloc : memref<!tpu.dma_semaphore, #tpu.memory_space<semaphore_mem>>
      %dma_start3A = arith.constant 2288 : i32
      %dma_start3A_206 = tpu.memref_slice %arg6[%dma_start3A] : memref<65792xf32, #tpu.memory_space<vmem>> -> memref<1824xf32, #tpu.memory_space<vmem>>
      %dma_start3A_207 = tpu.memref_slice %arg4[%mul3A_12] : memref<116736xf32, #tpu.memory_space<hbm>> -> memref<1824xf32, #tpu.memory_space<hbm>>
      %dma_start3A_208 = arith.constant 2288 : i32
      %dma_start3A_209 = tpu.memref_slice %arg6[%dma_start3A_208] : memref<65792xf32, #tpu.memory_space<vmem>> -> memref<1824xf32, #tpu.memory_space<vmem>>
      %dma_start3A_210 = tpu.memref_slice %arg4[%mul3A_12] : memref<116736xf32, #tpu.memory_space<hbm>> -> memref<1824xf32, #tpu.memory_space<hbm>>
      tpu.enqueue_dma source(%dma_start3A_210 : memref<1824xf32, #tpu.memory_space<hbm>>) target(%dma_start3A_209 : memref<1824xf32, #tpu.memory_space<vmem>>) target_semaphore(%run_scoped3A : memref<!tpu.dma_semaphore, #tpu.memory_space<semaphore_mem>>)
      %dma_wait3A = arith.constant 2288 : i32
      %dma_wait3A_211 = tpu.memref_slice %arg6[%dma_wait3A] : memref<65792xf32, #tpu.memory_space<vmem>> -> memref<1824xf32, #tpu.memory_space<vmem>>
      %dma_wait3A_212 = tpu.memref_slice %arg4[%mul3A_12] : memref<116736xf32, #tpu.memory_space<hbm>> -> memref<1824xf32, #tpu.memory_space<hbm>>
      %dma_wait3A_213 = arith.constant 2288 : i32
      %dma_wait3A_214 = tpu.memref_slice %arg6[%dma_wait3A_213] : memref<65792xf32, #tpu.memory_space<vmem>> -> memref<1824xf32, #tpu.memory_space<vmem>>
      %dma_wait3A_215 = tpu.memref_slice %arg4[%mul3A_12] : memref<116736xf32, #tpu.memory_space<hbm>> -> memref<1824xf32, #tpu.memory_space<hbm>>
      tpu.wait_dma2 semaphore(%run_scoped3A : memref<!tpu.dma_semaphore, #tpu.memory_space<semaphore_mem>>) src(%dma_wait3A_215 : memref<1824xf32, #tpu.memory_space<hbm>>) dst(%dma_wait3A_214 : memref<1824xf32, #tpu.memory_space<vmem>>)
      tpu.yield
    }) : () -> ()
    %mul3A_13 = arith.constant 2 : i32
    %mul3A_14 = arith.muli %add3A, %mul3A_13 : i32
    %add3A_15 = arith.constant 1 : i32
    %add3A_16 = arith.addi %mul3A_14, %add3A_15 : i32
    %mul3A_17 = arith.constant 1920 : i32
    %mul3A_18 = arith.muli %add3A_16, %mul3A_17 : i32
    "tpu.region"() ({
      %run_scoped3A = tpu.sem_alloc : memref<!tpu.dma_semaphore, #tpu.memory_space<semaphore_mem>>
      %dma_start3A = arith.constant 4112 : i32
      %dma_start3A_206 = tpu.memref_slice %arg6[%dma_start3A] : memref<65792xf32, #tpu.memory_space<vmem>> -> memref<1920xf32, #tpu.memory_space<vmem>>
      %dma_start3A_207 = tpu.memref_slice %arg2[%mul3A_18] : memref<122880xf32, #tpu.memory_space<hbm>> -> memref<1920xf32, #tpu.memory_space<hbm>>
      %dma_start3A_208 = arith.constant 4112 : i32
      %dma_start3A_209 = tpu.memref_slice %arg6[%dma_start3A_208] : memref<65792xf32, #tpu.memory_space<vmem>> -> memref<1920xf32, #tpu.memory_space<vmem>>
      %dma_start3A_210 = tpu.memref_slice %arg2[%mul3A_18] : memref<122880xf32, #tpu.memory_space<hbm>> -> memref<1920xf32, #tpu.memory_space<hbm>>
      tpu.enqueue_dma source(%dma_start3A_210 : memref<1920xf32, #tpu.memory_space<hbm>>) target(%dma_start3A_209 : memref<1920xf32, #tpu.memory_space<vmem>>) target_semaphore(%run_scoped3A : memref<!tpu.dma_semaphore, #tpu.memory_space<semaphore_mem>>)
      %dma_wait3A = arith.constant 4112 : i32
      %dma_wait3A_211 = tpu.memref_slice %arg6[%dma_wait3A] : memref<65792xf32, #tpu.memory_space<vmem>> -> memref<1920xf32, #tpu.memory_space<vmem>>
      %dma_wait3A_212 = tpu.memref_slice %arg2[%mul3A_18] : memref<122880xf32, #tpu.memory_space<hbm>> -> memref<1920xf32, #tpu.memory_space<hbm>>
      %dma_wait3A_213 = arith.constant 4112 : i32
      %dma_wait3A_214 = tpu.memref_slice %arg6[%dma_wait3A_213] : memref<65792xf32, #tpu.memory_space<vmem>> -> memref<1920xf32, #tpu.memory_space<vmem>>
      %dma_wait3A_215 = tpu.memref_slice %arg2[%mul3A_18] : memref<122880xf32, #tpu.memory_space<hbm>> -> memref<1920xf32, #tpu.memory_space<hbm>>
      tpu.wait_dma2 semaphore(%run_scoped3A : memref<!tpu.dma_semaphore, #tpu.memory_space<semaphore_mem>>) src(%dma_wait3A_215 : memref<1920xf32, #tpu.memory_space<hbm>>) dst(%dma_wait3A_214 : memref<1920xf32, #tpu.memory_space<vmem>>)
      tpu.yield
    }) : () -> ()
    %add3A_19 = arith.constant 0 : i32
    %add3A_20 = arith.addi %add3A_19, %add3A_16 : i32
    %mul3A_21 = arith.constant 384 : i32
    %mul3A_22 = arith.muli %add3A_20, %mul3A_21 : i32
    "tpu.region"() ({
      %run_scoped3A = tpu.sem_alloc : memref<!tpu.dma_semaphore, #tpu.memory_space<semaphore_mem>>
      %dma_start3A = arith.constant 6016 : i32
      %dma_start3A_206 = tpu.memref_slice %arg6[%dma_start3A] : memref<65792xf32, #tpu.memory_space<vmem>> -> memref<384xf32, #tpu.memory_space<vmem>>
      %dma_start3A_207 = tpu.memref_slice %arg3[%mul3A_22] : memref<196608xf32, #tpu.memory_space<hbm>> -> memref<384xf32, #tpu.memory_space<hbm>>
      %dma_start3A_208 = arith.constant 6016 : i32
      %dma_start3A_209 = tpu.memref_slice %arg6[%dma_start3A_208] : memref<65792xf32, #tpu.memory_space<vmem>> -> memref<384xf32, #tpu.memory_space<vmem>>
      %dma_start3A_210 = tpu.memref_slice %arg3[%mul3A_22] : memref<196608xf32, #tpu.memory_space<hbm>> -> memref<384xf32, #tpu.memory_space<hbm>>
      tpu.enqueue_dma source(%dma_start3A_210 : memref<384xf32, #tpu.memory_space<hbm>>) target(%dma_start3A_209 : memref<384xf32, #tpu.memory_space<vmem>>) target_semaphore(%run_scoped3A : memref<!tpu.dma_semaphore, #tpu.memory_space<semaphore_mem>>)
      %dma_wait3A = arith.constant 6016 : i32
      %dma_wait3A_211 = tpu.memref_slice %arg6[%dma_wait3A] : memref<65792xf32, #tpu.memory_space<vmem>> -> memref<384xf32, #tpu.memory_space<vmem>>
      %dma_wait3A_212 = tpu.memref_slice %arg3[%mul3A_22] : memref<196608xf32, #tpu.memory_space<hbm>> -> memref<384xf32, #tpu.memory_space<hbm>>
      %dma_wait3A_213 = arith.constant 6016 : i32
      %dma_wait3A_214 = tpu.memref_slice %arg6[%dma_wait3A_213] : memref<65792xf32, #tpu.memory_space<vmem>> -> memref<384xf32, #tpu.memory_space<vmem>>
      %dma_wait3A_215 = tpu.memref_slice %arg3[%mul3A_22] : memref<196608xf32, #tpu.memory_space<hbm>> -> memref<384xf32, #tpu.memory_space<hbm>>
      tpu.wait_dma2 semaphore(%run_scoped3A : memref<!tpu.dma_semaphore, #tpu.memory_space<semaphore_mem>>) src(%dma_wait3A_215 : memref<384xf32, #tpu.memory_space<hbm>>) dst(%dma_wait3A_214 : memref<384xf32, #tpu.memory_space<vmem>>)
      tpu.yield
    }) : () -> ()
    %mul3A_23 = arith.constant 1824 : i32
    %mul3A_24 = arith.muli %add3A_16, %mul3A_23 : i32
    "tpu.region"() ({
      %run_scoped3A = tpu.sem_alloc : memref<!tpu.dma_semaphore, #tpu.memory_space<semaphore_mem>>
      %dma_start3A = arith.constant 6400 : i32
      %dma_start3A_206 = tpu.memref_slice %arg6[%dma_start3A] : memref<65792xf32, #tpu.memory_space<vmem>> -> memref<1824xf32, #tpu.memory_space<vmem>>
      %dma_start3A_207 = tpu.memref_slice %arg4[%mul3A_24] : memref<116736xf32, #tpu.memory_space<hbm>> -> memref<1824xf32, #tpu.memory_space<hbm>>
      %dma_start3A_208 = arith.constant 6400 : i32
      %dma_start3A_209 = tpu.memref_slice %arg6[%dma_start3A_208] : memref<65792xf32, #tpu.memory_space<vmem>> -> memref<1824xf32, #tpu.memory_space<vmem>>
      %dma_start3A_210 = tpu.memref_slice %arg4[%mul3A_24] : memref<116736xf32, #tpu.memory_space<hbm>> -> memref<1824xf32, #tpu.memory_space<hbm>>
      tpu.enqueue_dma source(%dma_start3A_210 : memref<1824xf32, #tpu.memory_space<hbm>>) target(%dma_start3A_209 : memref<1824xf32, #tpu.memory_space<vmem>>) target_semaphore(%run_scoped3A : memref<!tpu.dma_semaphore, #tpu.memory_space<semaphore_mem>>)
      %dma_wait3A = arith.constant 6400 : i32
      %dma_wait3A_211 = tpu.memref_slice %arg6[%dma_wait3A] : memref<65792xf32, #tpu.memory_space<vmem>> -> memref<1824xf32, #tpu.memory_space<vmem>>
      %dma_wait3A_212 = tpu.memref_slice %arg4[%mul3A_24] : memref<116736xf32, #tpu.memory_space<hbm>> -> memref<1824xf32, #tpu.memory_space<hbm>>
      %dma_wait3A_213 = arith.constant 6400 : i32
      %dma_wait3A_214 = tpu.memref_slice %arg6[%dma_wait3A_213] : memref<65792xf32, #tpu.memory_space<vmem>> -> memref<1824xf32, #tpu.memory_space<vmem>>
      %dma_wait3A_215 = tpu.memref_slice %arg4[%mul3A_24] : memref<116736xf32, #tpu.memory_space<hbm>> -> memref<1824xf32, #tpu.memory_space<hbm>>
      tpu.wait_dma2 semaphore(%run_scoped3A : memref<!tpu.dma_semaphore, #tpu.memory_space<semaphore_mem>>) src(%dma_wait3A_215 : memref<1824xf32, #tpu.memory_space<hbm>>) dst(%dma_wait3A_214 : memref<1824xf32, #tpu.memory_space<vmem>>)
      tpu.yield
    }) : () -> ()
    %mul3A_25 = arith.constant 2 : i32
    %mul3A_26 = arith.muli %add3A, %mul3A_25 : i32
    %add3A_27 = arith.constant 0 : i32
    %add3A_28 = arith.addi %mul3A_26, %add3A_27 : i32
    %mul3A_29 = arith.constant 1920 : i32
    %mul3A_30 = arith.muli %add3A_28, %mul3A_29 : i32
    "tpu.region"() ({
      %run_scoped3A = tpu.sem_alloc : memref<!tpu.dma_semaphore, #tpu.memory_space<semaphore_mem>>
      %dma_start3A = arith.constant 8224 : i32
      %dma_start3A_206 = tpu.memref_slice %arg6[%dma_start3A] : memref<65792xf32, #tpu.memory_space<vmem>> -> memref<1920xf32, #tpu.memory_space<vmem>>
      %dma_start3A_207 = tpu.memref_slice %arg2[%mul3A_30] : memref<122880xf32, #tpu.memory_space<hbm>> -> memref<1920xf32, #tpu.memory_space<hbm>>
      %dma_start3A_208 = arith.constant 8224 : i32
      %dma_start3A_209 = tpu.memref_slice %arg6[%dma_start3A_208] : memref<65792xf32, #tpu.memory_space<vmem>> -> memref<1920xf32, #tpu.memory_space<vmem>>
      %dma_start3A_210 = tpu.memref_slice %arg2[%mul3A_30] : memref<122880xf32, #tpu.memory_space<hbm>> -> memref<1920xf32, #tpu.memory_space<hbm>>
      tpu.enqueue_dma source(%dma_start3A_210 : memref<1920xf32, #tpu.memory_space<hbm>>) target(%dma_start3A_209 : memref<1920xf32, #tpu.memory_space<vmem>>) target_semaphore(%run_scoped3A : memref<!tpu.dma_semaphore, #tpu.memory_space<semaphore_mem>>)
      %dma_wait3A = arith.constant 8224 : i32
      %dma_wait3A_211 = tpu.memref_slice %arg6[%dma_wait3A] : memref<65792xf32, #tpu.memory_space<vmem>> -> memref<1920xf32, #tpu.memory_space<vmem>>
      %dma_wait3A_212 = tpu.memref_slice %arg2[%mul3A_30] : memref<122880xf32, #tpu.memory_space<hbm>> -> memref<1920xf32, #tpu.memory_space<hbm>>
      %dma_wait3A_213 = arith.constant 8224 : i32
      %dma_wait3A_214 = tpu.memref_slice %arg6[%dma_wait3A_213] : memref<65792xf32, #tpu.memory_space<vmem>> -> memref<1920xf32, #tpu.memory_space<vmem>>
      %dma_wait3A_215 = tpu.memref_slice %arg2[%mul3A_30] : memref<122880xf32, #tpu.memory_space<hbm>> -> memref<1920xf32, #tpu.memory_space<hbm>>
      tpu.wait_dma2 semaphore(%run_scoped3A : memref<!tpu.dma_semaphore, #tpu.memory_space<semaphore_mem>>) src(%dma_wait3A_215 : memref<1920xf32, #tpu.memory_space<hbm>>) dst(%dma_wait3A_214 : memref<1920xf32, #tpu.memory_space<vmem>>)
      tpu.yield
    }) : () -> ()
    %add3A_31 = arith.constant 64 : i32
    %add3A_32 = arith.addi %add3A_31, %add3A_28 : i32
    %mul3A_33 = arith.constant 384 : i32
    %mul3A_34 = arith.muli %add3A_32, %mul3A_33 : i32
    "tpu.region"() ({
      %run_scoped3A = tpu.sem_alloc : memref<!tpu.dma_semaphore, #tpu.memory_space<semaphore_mem>>
      %dma_start3A = arith.constant 10128 : i32
      %dma_start3A_206 = tpu.memref_slice %arg6[%dma_start3A] : memref<65792xf32, #tpu.memory_space<vmem>> -> memref<384xf32, #tpu.memory_space<vmem>>
      %dma_start3A_207 = tpu.memref_slice %arg3[%mul3A_34] : memref<196608xf32, #tpu.memory_space<hbm>> -> memref<384xf32, #tpu.memory_space<hbm>>
      %dma_start3A_208 = arith.constant 10128 : i32
      %dma_start3A_209 = tpu.memref_slice %arg6[%dma_start3A_208] : memref<65792xf32, #tpu.memory_space<vmem>> -> memref<384xf32, #tpu.memory_space<vmem>>
      %dma_start3A_210 = tpu.memref_slice %arg3[%mul3A_34] : memref<196608xf32, #tpu.memory_space<hbm>> -> memref<384xf32, #tpu.memory_space<hbm>>
      tpu.enqueue_dma source(%dma_start3A_210 : memref<384xf32, #tpu.memory_space<hbm>>) target(%dma_start3A_209 : memref<384xf32, #tpu.memory_space<vmem>>) target_semaphore(%run_scoped3A : memref<!tpu.dma_semaphore, #tpu.memory_space<semaphore_mem>>)
      %dma_wait3A = arith.constant 10128 : i32
      %dma_wait3A_211 = tpu.memref_slice %arg6[%dma_wait3A] : memref<65792xf32, #tpu.memory_space<vmem>> -> memref<384xf32, #tpu.memory_space<vmem>>
      %dma_wait3A_212 = tpu.memref_slice %arg3[%mul3A_34] : memref<196608xf32, #tpu.memory_space<hbm>> -> memref<384xf32, #tpu.memory_space<hbm>>
      %dma_wait3A_213 = arith.constant 10128 : i32
      %dma_wait3A_214 = tpu.memref_slice %arg6[%dma_wait3A_213] : memref<65792xf32, #tpu.memory_space<vmem>> -> memref<384xf32, #tpu.memory_space<vmem>>
      %dma_wait3A_215 = tpu.memref_slice %arg3[%mul3A_34] : memref<196608xf32, #tpu.memory_space<hbm>> -> memref<384xf32, #tpu.memory_space<hbm>>
      tpu.wait_dma2 semaphore(%run_scoped3A : memref<!tpu.dma_semaphore, #tpu.memory_space<semaphore_mem>>) src(%dma_wait3A_215 : memref<384xf32, #tpu.memory_space<hbm>>) dst(%dma_wait3A_214 : memref<384xf32, #tpu.memory_space<vmem>>)
      tpu.yield
    }) : () -> ()
    %mul3A_35 = arith.constant 1824 : i32
    %mul3A_36 = arith.muli %add3A_28, %mul3A_35 : i32
    "tpu.region"() ({
      %run_scoped3A = tpu.sem_alloc : memref<!tpu.dma_semaphore, #tpu.memory_space<semaphore_mem>>
      %dma_start3A = arith.constant 10512 : i32
      %dma_start3A_206 = tpu.memref_slice %arg6[%dma_start3A] : memref<65792xf32, #tpu.memory_space<vmem>> -> memref<1824xf32, #tpu.memory_space<vmem>>
      %dma_start3A_207 = tpu.memref_slice %arg4[%mul3A_36] : memref<116736xf32, #tpu.memory_space<hbm>> -> memref<1824xf32, #tpu.memory_space<hbm>>
      %dma_start3A_208 = arith.constant 10512 : i32
      %dma_start3A_209 = tpu.memref_slice %arg6[%dma_start3A_208] : memref<65792xf32, #tpu.memory_space<vmem>> -> memref<1824xf32, #tpu.memory_space<vmem>>
      %dma_start3A_210 = tpu.memref_slice %arg4[%mul3A_36] : memref<116736xf32, #tpu.memory_space<hbm>> -> memref<1824xf32, #tpu.memory_space<hbm>>
      tpu.enqueue_dma source(%dma_start3A_210 : memref<1824xf32, #tpu.memory_space<hbm>>) target(%dma_start3A_209 : memref<1824xf32, #tpu.memory_space<vmem>>) target_semaphore(%run_scoped3A : memref<!tpu.dma_semaphore, #tpu.memory_space<semaphore_mem>>)
      %dma_wait3A = arith.constant 10512 : i32
      %dma_wait3A_211 = tpu.memref_slice %arg6[%dma_wait3A] : memref<65792xf32, #tpu.memory_space<vmem>> -> memref<1824xf32, #tpu.memory_space<vmem>>
      %dma_wait3A_212 = tpu.memref_slice %arg4[%mul3A_36] : memref<116736xf32, #tpu.memory_space<hbm>> -> memref<1824xf32, #tpu.memory_space<hbm>>
      %dma_wait3A_213 = arith.constant 10512 : i32
      %dma_wait3A_214 = tpu.memref_slice %arg6[%dma_wait3A_213] : memref<65792xf32, #tpu.memory_space<vmem>> -> memref<1824xf32, #tpu.memory_space<vmem>>
      %dma_wait3A_215 = tpu.memref_slice %arg4[%mul3A_36] : memref<116736xf32, #tpu.memory_space<hbm>> -> memref<1824xf32, #tpu.memory_space<hbm>>
      tpu.wait_dma2 semaphore(%run_scoped3A : memref<!tpu.dma_semaphore, #tpu.memory_space<semaphore_mem>>) src(%dma_wait3A_215 : memref<1824xf32, #tpu.memory_space<hbm>>) dst(%dma_wait3A_214 : memref<1824xf32, #tpu.memory_space<vmem>>)
      tpu.yield
    }) : () -> ()
    %mul3A_37 = arith.constant 2 : i32
    %mul3A_38 = arith.muli %add3A, %mul3A_37 : i32
    %add3A_39 = arith.constant 1 : i32
    %add3A_40 = arith.addi %mul3A_38, %add3A_39 : i32
    %mul3A_41 = arith.constant 1920 : i32
    %mul3A_42 = arith.muli %add3A_40, %mul3A_41 : i32
    "tpu.region"() ({
      %run_scoped3A = tpu.sem_alloc : memref<!tpu.dma_semaphore, #tpu.memory_space<semaphore_mem>>
      %dma_start3A = arith.constant 12336 : i32
      %dma_start3A_206 = tpu.memref_slice %arg6[%dma_start3A] : memref<65792xf32, #tpu.memory_space<vmem>> -> memref<1920xf32, #tpu.memory_space<vmem>>
      %dma_start3A_207 = tpu.memref_slice %arg2[%mul3A_42] : memref<122880xf32, #tpu.memory_space<hbm>> -> memref<1920xf32, #tpu.memory_space<hbm>>
      %dma_start3A_208 = arith.constant 12336 : i32
      %dma_start3A_209 = tpu.memref_slice %arg6[%dma_start3A_208] : memref<65792xf32, #tpu.memory_space<vmem>> -> memref<1920xf32, #tpu.memory_space<vmem>>
      %dma_start3A_210 = tpu.memref_slice %arg2[%mul3A_42] : memref<122880xf32, #tpu.memory_space<hbm>> -> memref<1920xf32, #tpu.memory_space<hbm>>
      tpu.enqueue_dma source(%dma_start3A_210 : memref<1920xf32, #tpu.memory_space<hbm>>) target(%dma_start3A_209 : memref<1920xf32, #tpu.memory_space<vmem>>) target_semaphore(%run_scoped3A : memref<!tpu.dma_semaphore, #tpu.memory_space<semaphore_mem>>)
      %dma_wait3A = arith.constant 12336 : i32
      %dma_wait3A_211 = tpu.memref_slice %arg6[%dma_wait3A] : memref<65792xf32, #tpu.memory_space<vmem>> -> memref<1920xf32, #tpu.memory_space<vmem>>
      %dma_wait3A_212 = tpu.memref_slice %arg2[%mul3A_42] : memref<122880xf32, #tpu.memory_space<hbm>> -> memref<1920xf32, #tpu.memory_space<hbm>>
      %dma_wait3A_213 = arith.constant 12336 : i32
      %dma_wait3A_214 = tpu.memref_slice %arg6[%dma_wait3A_213] : memref<65792xf32, #tpu.memory_space<vmem>> -> memref<1920xf32, #tpu.memory_space<vmem>>
      %dma_wait3A_215 = tpu.memref_slice %arg2[%mul3A_42] : memref<122880xf32, #tpu.memory_space<hbm>> -> memref<1920xf32, #tpu.memory_space<hbm>>
      tpu.wait_dma2 semaphore(%run_scoped3A : memref<!tpu.dma_semaphore, #tpu.memory_space<semaphore_mem>>) src(%dma_wait3A_215 : memref<1920xf32, #tpu.memory_space<hbm>>) dst(%dma_wait3A_214 : memref<1920xf32, #tpu.memory_space<vmem>>)
      tpu.yield
    }) : () -> ()
    %add3A_43 = arith.constant 64 : i32
    %add3A_44 = arith.addi %add3A_43, %add3A_40 : i32
    %mul3A_45 = arith.constant 384 : i32
    %mul3A_46 = arith.muli %add3A_44, %mul3A_45 : i32
    "tpu.region"() ({
      %run_scoped3A = tpu.sem_alloc : memref<!tpu.dma_semaphore, #tpu.memory_space<semaphore_mem>>
      %dma_start3A = arith.constant 14240 : i32
      %dma_start3A_206 = tpu.memref_slice %arg6[%dma_start3A] : memref<65792xf32, #tpu.memory_space<vmem>> -> memref<384xf32, #tpu.memory_space<vmem>>
      %dma_start3A_207 = tpu.memref_slice %arg3[%mul3A_46] : memref<196608xf32, #tpu.memory_space<hbm>> -> memref<384xf32, #tpu.memory_space<hbm>>
      %dma_start3A_208 = arith.constant 14240 : i32
      %dma_start3A_209 = tpu.memref_slice %arg6[%dma_start3A_208] : memref<65792xf32, #tpu.memory_space<vmem>> -> memref<384xf32, #tpu.memory_space<vmem>>
      %dma_start3A_210 = tpu.memref_slice %arg3[%mul3A_46] : memref<196608xf32, #tpu.memory_space<hbm>> -> memref<384xf32, #tpu.memory_space<hbm>>
      tpu.enqueue_dma source(%dma_start3A_210 : memref<384xf32, #tpu.memory_space<hbm>>) target(%dma_start3A_209 : memref<384xf32, #tpu.memory_space<vmem>>) target_semaphore(%run_scoped3A : memref<!tpu.dma_semaphore, #tpu.memory_space<semaphore_mem>>)
      %dma_wait3A = arith.constant 14240 : i32
      %dma_wait3A_211 = tpu.memref_slice %arg6[%dma_wait3A] : memref<65792xf32, #tpu.memory_space<vmem>> -> memref<384xf32, #tpu.memory_space<vmem>>
      %dma_wait3A_212 = tpu.memref_slice %arg3[%mul3A_46] : memref<196608xf32, #tpu.memory_space<hbm>> -> memref<384xf32, #tpu.memory_space<hbm>>
      %dma_wait3A_213 = arith.constant 14240 : i32
      %dma_wait3A_214 = tpu.memref_slice %arg6[%dma_wait3A_213] : memref<65792xf32, #tpu.memory_space<vmem>> -> memref<384xf32, #tpu.memory_space<vmem>>
      %dma_wait3A_215 = tpu.memref_slice %arg3[%mul3A_46] : memref<196608xf32, #tpu.memory_space<hbm>> -> memref<384xf32, #tpu.memory_space<hbm>>
      tpu.wait_dma2 semaphore(%run_scoped3A : memref<!tpu.dma_semaphore, #tpu.memory_space<semaphore_mem>>) src(%dma_wait3A_215 : memref<384xf32, #tpu.memory_space<hbm>>) dst(%dma_wait3A_214 : memref<384xf32, #tpu.memory_space<vmem>>)
      tpu.yield
    }) : () -> ()
    %mul3A_47 = arith.constant 1824 : i32
    %mul3A_48 = arith.muli %add3A_40, %mul3A_47 : i32
    "tpu.region"() ({
      %run_scoped3A = tpu.sem_alloc : memref<!tpu.dma_semaphore, #tpu.memory_space<semaphore_mem>>
      %dma_start3A = arith.constant 14624 : i32
      %dma_start3A_206 = tpu.memref_slice %arg6[%dma_start3A] : memref<65792xf32, #tpu.memory_space<vmem>> -> memref<1824xf32, #tpu.memory_space<vmem>>
      %dma_start3A_207 = tpu.memref_slice %arg4[%mul3A_48] : memref<116736xf32, #tpu.memory_space<hbm>> -> memref<1824xf32, #tpu.memory_space<hbm>>
      %dma_start3A_208 = arith.constant 14624 : i32
      %dma_start3A_209 = tpu.memref_slice %arg6[%dma_start3A_208] : memref<65792xf32, #tpu.memory_space<vmem>> -> memref<1824xf32, #tpu.memory_space<vmem>>
      %dma_start3A_210 = tpu.memref_slice %arg4[%mul3A_48] : memref<116736xf32, #tpu.memory_space<hbm>> -> memref<1824xf32, #tpu.memory_space<hbm>>
      tpu.enqueue_dma source(%dma_start3A_210 : memref<1824xf32, #tpu.memory_space<hbm>>) target(%dma_start3A_209 : memref<1824xf32, #tpu.memory_space<vmem>>) target_semaphore(%run_scoped3A : memref<!tpu.dma_semaphore, #tpu.memory_space<semaphore_mem>>)
      %dma_wait3A = arith.constant 14624 : i32
      %dma_wait3A_211 = tpu.memref_slice %arg6[%dma_wait3A] : memref<65792xf32, #tpu.memory_space<vmem>> -> memref<1824xf32, #tpu.memory_space<vmem>>
      %dma_wait3A_212 = tpu.memref_slice %arg4[%mul3A_48] : memref<116736xf32, #tpu.memory_space<hbm>> -> memref<1824xf32, #tpu.memory_space<hbm>>
      %dma_wait3A_213 = arith.constant 14624 : i32
      %dma_wait3A_214 = tpu.memref_slice %arg6[%dma_wait3A_213] : memref<65792xf32, #tpu.memory_space<vmem>> -> memref<1824xf32, #tpu.memory_space<vmem>>
      %dma_wait3A_215 = tpu.memref_slice %arg4[%mul3A_48] : memref<116736xf32, #tpu.memory_space<hbm>> -> memref<1824xf32, #tpu.memory_space<hbm>>
      tpu.wait_dma2 semaphore(%run_scoped3A : memref<!tpu.dma_semaphore, #tpu.memory_space<semaphore_mem>>) src(%dma_wait3A_215 : memref<1824xf32, #tpu.memory_space<hbm>>) dst(%dma_wait3A_214 : memref<1824xf32, #tpu.memory_space<vmem>>)
      tpu.yield
    }) : () -> ()
    %mul3A_49 = arith.constant 2 : i32
    %mul3A_50 = arith.muli %add3A, %mul3A_49 : i32
    %add3A_51 = arith.constant 0 : i32
    %add3A_52 = arith.addi %mul3A_50, %add3A_51 : i32
    %mul3A_53 = arith.constant 1920 : i32
    %mul3A_54 = arith.muli %add3A_52, %mul3A_53 : i32
    "tpu.region"() ({
      %run_scoped3A = tpu.sem_alloc : memref<!tpu.dma_semaphore, #tpu.memory_space<semaphore_mem>>
      %dma_start3A = arith.constant 16448 : i32
      %dma_start3A_206 = tpu.memref_slice %arg6[%dma_start3A] : memref<65792xf32, #tpu.memory_space<vmem>> -> memref<1920xf32, #tpu.memory_space<vmem>>
      %dma_start3A_207 = tpu.memref_slice %arg2[%mul3A_54] : memref<122880xf32, #tpu.memory_space<hbm>> -> memref<1920xf32, #tpu.memory_space<hbm>>
      %dma_start3A_208 = arith.constant 16448 : i32
      %dma_start3A_209 = tpu.memref_slice %arg6[%dma_start3A_208] : memref<65792xf32, #tpu.memory_space<vmem>> -> memref<1920xf32, #tpu.memory_space<vmem>>
      %dma_start3A_210 = tpu.memref_slice %arg2[%mul3A_54] : memref<122880xf32, #tpu.memory_space<hbm>> -> memref<1920xf32, #tpu.memory_space<hbm>>
      tpu.enqueue_dma source(%dma_start3A_210 : memref<1920xf32, #tpu.memory_space<hbm>>) target(%dma_start3A_209 : memref<1920xf32, #tpu.memory_space<vmem>>) target_semaphore(%run_scoped3A : memref<!tpu.dma_semaphore, #tpu.memory_space<semaphore_mem>>)
      %dma_wait3A = arith.constant 16448 : i32
      %dma_wait3A_211 = tpu.memref_slice %arg6[%dma_wait3A] : memref<65792xf32, #tpu.memory_space<vmem>> -> memref<1920xf32, #tpu.memory_space<vmem>>
      %dma_wait3A_212 = tpu.memref_slice %arg2[%mul3A_54] : memref<122880xf32, #tpu.memory_space<hbm>> -> memref<1920xf32, #tpu.memory_space<hbm>>
      %dma_wait3A_213 = arith.constant 16448 : i32
      %dma_wait3A_214 = tpu.memref_slice %arg6[%dma_wait3A_213] : memref<65792xf32, #tpu.memory_space<vmem>> -> memref<1920xf32, #tpu.memory_space<vmem>>
      %dma_wait3A_215 = tpu.memref_slice %arg2[%mul3A_54] : memref<122880xf32, #tpu.memory_space<hbm>> -> memref<1920xf32, #tpu.memory_space<hbm>>
      tpu.wait_dma2 semaphore(%run_scoped3A : memref<!tpu.dma_semaphore, #tpu.memory_space<semaphore_mem>>) src(%dma_wait3A_215 : memref<1920xf32, #tpu.memory_space<hbm>>) dst(%dma_wait3A_214 : memref<1920xf32, #tpu.memory_space<vmem>>)
      tpu.yield
    }) : () -> ()
    %add3A_55 = arith.constant 128 : i32
    %add3A_56 = arith.addi %add3A_55, %add3A_52 : i32
    %mul3A_57 = arith.constant 384 : i32
    %mul3A_58 = arith.muli %add3A_56, %mul3A_57 : i32
    "tpu.region"() ({
      %run_scoped3A = tpu.sem_alloc : memref<!tpu.dma_semaphore, #tpu.memory_space<semaphore_mem>>
      %dma_start3A = arith.constant 18352 : i32
      %dma_start3A_206 = tpu.memref_slice %arg6[%dma_start3A] : memref<65792xf32, #tpu.memory_space<vmem>> -> memref<384xf32, #tpu.memory_space<vmem>>
      %dma_start3A_207 = tpu.memref_slice %arg3[%mul3A_58] : memref<196608xf32, #tpu.memory_space<hbm>> -> memref<384xf32, #tpu.memory_space<hbm>>
      %dma_start3A_208 = arith.constant 18352 : i32
      %dma_start3A_209 = tpu.memref_slice %arg6[%dma_start3A_208] : memref<65792xf32, #tpu.memory_space<vmem>> -> memref<384xf32, #tpu.memory_space<vmem>>
      %dma_start3A_210 = tpu.memref_slice %arg3[%mul3A_58] : memref<196608xf32, #tpu.memory_space<hbm>> -> memref<384xf32, #tpu.memory_space<hbm>>
      tpu.enqueue_dma source(%dma_start3A_210 : memref<384xf32, #tpu.memory_space<hbm>>) target(%dma_start3A_209 : memref<384xf32, #tpu.memory_space<vmem>>) target_semaphore(%run_scoped3A : memref<!tpu.dma_semaphore, #tpu.memory_space<semaphore_mem>>)
      %dma_wait3A = arith.constant 18352 : i32
      %dma_wait3A_211 = tpu.memref_slice %arg6[%dma_wait3A] : memref<65792xf32, #tpu.memory_space<vmem>> -> memref<384xf32, #tpu.memory_space<vmem>>
      %dma_wait3A_212 = tpu.memref_slice %arg3[%mul3A_58] : memref<196608xf32, #tpu.memory_space<hbm>> -> memref<384xf32, #tpu.memory_space<hbm>>
      %dma_wait3A_213 = arith.constant 18352 : i32
      %dma_wait3A_214 = tpu.memref_slice %arg6[%dma_wait3A_213] : memref<65792xf32, #tpu.memory_space<vmem>> -> memref<384xf32, #tpu.memory_space<vmem>>
      %dma_wait3A_215 = tpu.memref_slice %arg3[%mul3A_58] : memref<196608xf32, #tpu.memory_space<hbm>> -> memref<384xf32, #tpu.memory_space<hbm>>
      tpu.wait_dma2 semaphore(%run_scoped3A : memref<!tpu.dma_semaphore, #tpu.memory_space<semaphore_mem>>) src(%dma_wait3A_215 : memref<384xf32, #tpu.memory_space<hbm>>) dst(%dma_wait3A_214 : memref<384xf32, #tpu.memory_space<vmem>>)
      tpu.yield
    }) : () -> ()
    %mul3A_59 = arith.constant 1824 : i32
    %mul3A_60 = arith.muli %add3A_52, %mul3A_59 : i32
    "tpu.region"() ({
      %run_scoped3A = tpu.sem_alloc : memref<!tpu.dma_semaphore, #tpu.memory_space<semaphore_mem>>
      %dma_start3A = arith.constant 18736 : i32
      %dma_start3A_206 = tpu.memref_slice %arg6[%dma_start3A] : memref<65792xf32, #tpu.memory_space<vmem>> -> memref<1824xf32, #tpu.memory_space<vmem>>
      %dma_start3A_207 = tpu.memref_slice %arg4[%mul3A_60] : memref<116736xf32, #tpu.memory_space<hbm>> -> memref<1824xf32, #tpu.memory_space<hbm>>
      %dma_start3A_208 = arith.constant 18736 : i32
      %dma_start3A_209 = tpu.memref_slice %arg6[%dma_start3A_208] : memref<65792xf32, #tpu.memory_space<vmem>> -> memref<1824xf32, #tpu.memory_space<vmem>>
      %dma_start3A_210 = tpu.memref_slice %arg4[%mul3A_60] : memref<116736xf32, #tpu.memory_space<hbm>> -> memref<1824xf32, #tpu.memory_space<hbm>>
      tpu.enqueue_dma source(%dma_start3A_210 : memref<1824xf32, #tpu.memory_space<hbm>>) target(%dma_start3A_209 : memref<1824xf32, #tpu.memory_space<vmem>>) target_semaphore(%run_scoped3A : memref<!tpu.dma_semaphore, #tpu.memory_space<semaphore_mem>>)
      %dma_wait3A = arith.constant 18736 : i32
      %dma_wait3A_211 = tpu.memref_slice %arg6[%dma_wait3A] : memref<65792xf32, #tpu.memory_space<vmem>> -> memref<1824xf32, #tpu.memory_space<vmem>>
      %dma_wait3A_212 = tpu.memref_slice %arg4[%mul3A_60] : memref<116736xf32, #tpu.memory_space<hbm>> -> memref<1824xf32, #tpu.memory_space<hbm>>
      %dma_wait3A_213 = arith.constant 18736 : i32
      %dma_wait3A_214 = tpu.memref_slice %arg6[%dma_wait3A_213] : memref<65792xf32, #tpu.memory_space<vmem>> -> memref<1824xf32, #tpu.memory_space<vmem>>
      %dma_wait3A_215 = tpu.memref_slice %arg4[%mul3A_60] : memref<116736xf32, #tpu.memory_space<hbm>> -> memref<1824xf32, #tpu.memory_space<hbm>>
      tpu.wait_dma2 semaphore(%run_scoped3A : memref<!tpu.dma_semaphore, #tpu.memory_space<semaphore_mem>>) src(%dma_wait3A_215 : memref<1824xf32, #tpu.memory_space<hbm>>) dst(%dma_wait3A_214 : memref<1824xf32, #tpu.memory_space<vmem>>)
      tpu.yield
    }) : () -> ()
    %mul3A_61 = arith.constant 2 : i32
    %mul3A_62 = arith.muli %add3A, %mul3A_61 : i32
    %add3A_63 = arith.constant 1 : i32
    %add3A_64 = arith.addi %mul3A_62, %add3A_63 : i32
    %mul3A_65 = arith.constant 1920 : i32
    %mul3A_66 = arith.muli %add3A_64, %mul3A_65 : i32
    "tpu.region"() ({
      %run_scoped3A = tpu.sem_alloc : memref<!tpu.dma_semaphore, #tpu.memory_space<semaphore_mem>>
      %dma_start3A = arith.constant 20560 : i32
      %dma_start3A_206 = tpu.memref_slice %arg6[%dma_start3A] : memref<65792xf32, #tpu.memory_space<vmem>> -> memref<1920xf32, #tpu.memory_space<vmem>>
      %dma_start3A_207 = tpu.memref_slice %arg2[%mul3A_66] : memref<122880xf32, #tpu.memory_space<hbm>> -> memref<1920xf32, #tpu.memory_space<hbm>>
      %dma_start3A_208 = arith.constant 20560 : i32
      %dma_start3A_209 = tpu.memref_slice %arg6[%dma_start3A_208] : memref<65792xf32, #tpu.memory_space<vmem>> -> memref<1920xf32, #tpu.memory_space<vmem>>
      %dma_start3A_210 = tpu.memref_slice %arg2[%mul3A_66] : memref<122880xf32, #tpu.memory_space<hbm>> -> memref<1920xf32, #tpu.memory_space<hbm>>
      tpu.enqueue_dma source(%dma_start3A_210 : memref<1920xf32, #tpu.memory_space<hbm>>) target(%dma_start3A_209 : memref<1920xf32, #tpu.memory_space<vmem>>) target_semaphore(%run_scoped3A : memref<!tpu.dma_semaphore, #tpu.memory_space<semaphore_mem>>)
      %dma_wait3A = arith.constant 20560 : i32
      %dma_wait3A_211 = tpu.memref_slice %arg6[%dma_wait3A] : memref<65792xf32, #tpu.memory_space<vmem>> -> memref<1920xf32, #tpu.memory_space<vmem>>
      %dma_wait3A_212 = tpu.memref_slice %arg2[%mul3A_66] : memref<122880xf32, #tpu.memory_space<hbm>> -> memref<1920xf32, #tpu.memory_space<hbm>>
      %dma_wait3A_213 = arith.constant 20560 : i32
      %dma_wait3A_214 = tpu.memref_slice %arg6[%dma_wait3A_213] : memref<65792xf32, #tpu.memory_space<vmem>> -> memref<1920xf32, #tpu.memory_space<vmem>>
      %dma_wait3A_215 = tpu.memref_slice %arg2[%mul3A_66] : memref<122880xf32, #tpu.memory_space<hbm>> -> memref<1920xf32, #tpu.memory_space<hbm>>
      tpu.wait_dma2 semaphore(%run_scoped3A : memref<!tpu.dma_semaphore, #tpu.memory_space<semaphore_mem>>) src(%dma_wait3A_215 : memref<1920xf32, #tpu.memory_space<hbm>>) dst(%dma_wait3A_214 : memref<1920xf32, #tpu.memory_space<vmem>>)
      tpu.yield
    }) : () -> ()
    %add3A_67 = arith.constant 128 : i32
    %add3A_68 = arith.addi %add3A_67, %add3A_64 : i32
    %mul3A_69 = arith.constant 384 : i32
    %mul3A_70 = arith.muli %add3A_68, %mul3A_69 : i32
    "tpu.region"() ({
      %run_scoped3A = tpu.sem_alloc : memref<!tpu.dma_semaphore, #tpu.memory_space<semaphore_mem>>
      %dma_start3A = arith.constant 22464 : i32
      %dma_start3A_206 = tpu.memref_slice %arg6[%dma_start3A] : memref<65792xf32, #tpu.memory_space<vmem>> -> memref<384xf32, #tpu.memory_space<vmem>>
      %dma_start3A_207 = tpu.memref_slice %arg3[%mul3A_70] : memref<196608xf32, #tpu.memory_space<hbm>> -> memref<384xf32, #tpu.memory_space<hbm>>
      %dma_start3A_208 = arith.constant 22464 : i32
      %dma_start3A_209 = tpu.memref_slice %arg6[%dma_start3A_208] : memref<65792xf32, #tpu.memory_space<vmem>> -> memref<384xf32, #tpu.memory_space<vmem>>
      %dma_start3A_210 = tpu.memref_slice %arg3[%mul3A_70] : memref<196608xf32, #tpu.memory_space<hbm>> -> memref<384xf32, #tpu.memory_space<hbm>>
      tpu.enqueue_dma source(%dma_start3A_210 : memref<384xf32, #tpu.memory_space<hbm>>) target(%dma_start3A_209 : memref<384xf32, #tpu.memory_space<vmem>>) target_semaphore(%run_scoped3A : memref<!tpu.dma_semaphore, #tpu.memory_space<semaphore_mem>>)
      %dma_wait3A = arith.constant 22464 : i32
      %dma_wait3A_211 = tpu.memref_slice %arg6[%dma_wait3A] : memref<65792xf32, #tpu.memory_space<vmem>> -> memref<384xf32, #tpu.memory_space<vmem>>
      %dma_wait3A_212 = tpu.memref_slice %arg3[%mul3A_70] : memref<196608xf32, #tpu.memory_space<hbm>> -> memref<384xf32, #tpu.memory_space<hbm>>
      %dma_wait3A_213 = arith.constant 22464 : i32
      %dma_wait3A_214 = tpu.memref_slice %arg6[%dma_wait3A_213] : memref<65792xf32, #tpu.memory_space<vmem>> -> memref<384xf32, #tpu.memory_space<vmem>>
      %dma_wait3A_215 = tpu.memref_slice %arg3[%mul3A_70] : memref<196608xf32, #tpu.memory_space<hbm>> -> memref<384xf32, #tpu.memory_space<hbm>>
      tpu.wait_dma2 semaphore(%run_scoped3A : memref<!tpu.dma_semaphore, #tpu.memory_space<semaphore_mem>>) src(%dma_wait3A_215 : memref<384xf32, #tpu.memory_space<hbm>>) dst(%dma_wait3A_214 : memref<384xf32, #tpu.memory_space<vmem>>)
      tpu.yield
    }) : () -> ()
    %mul3A_71 = arith.constant 1824 : i32
    %mul3A_72 = arith.muli %add3A_64, %mul3A_71 : i32
    "tpu.region"() ({
      %run_scoped3A = tpu.sem_alloc : memref<!tpu.dma_semaphore, #tpu.memory_space<semaphore_mem>>
      %dma_start3A = arith.constant 22848 : i32
      %dma_start3A_206 = tpu.memref_slice %arg6[%dma_start3A] : memref<65792xf32, #tpu.memory_space<vmem>> -> memref<1824xf32, #tpu.memory_space<vmem>>
      %dma_start3A_207 = tpu.memref_slice %arg4[%mul3A_72] : memref<116736xf32, #tpu.memory_space<hbm>> -> memref<1824xf32, #tpu.memory_space<hbm>>
      %dma_start3A_208 = arith.constant 22848 : i32
      %dma_start3A_209 = tpu.memref_slice %arg6[%dma_start3A_208] : memref<65792xf32, #tpu.memory_space<vmem>> -> memref<1824xf32, #tpu.memory_space<vmem>>
      %dma_start3A_210 = tpu.memref_slice %arg4[%mul3A_72] : memref<116736xf32, #tpu.memory_space<hbm>> -> memref<1824xf32, #tpu.memory_space<hbm>>
      tpu.enqueue_dma source(%dma_start3A_210 : memref<1824xf32, #tpu.memory_space<hbm>>) target(%dma_start3A_209 : memref<1824xf32, #tpu.memory_space<vmem>>) target_semaphore(%run_scoped3A : memref<!tpu.dma_semaphore, #tpu.memory_space<semaphore_mem>>)
      %dma_wait3A = arith.constant 22848 : i32
      %dma_wait3A_211 = tpu.memref_slice %arg6[%dma_wait3A] : memref<65792xf32, #tpu.memory_space<vmem>> -> memref<1824xf32, #tpu.memory_space<vmem>>
      %dma_wait3A_212 = tpu.memref_slice %arg4[%mul3A_72] : memref<116736xf32, #tpu.memory_space<hbm>> -> memref<1824xf32, #tpu.memory_space<hbm>>
      %dma_wait3A_213 = arith.constant 22848 : i32
      %dma_wait3A_214 = tpu.memref_slice %arg6[%dma_wait3A_213] : memref<65792xf32, #tpu.memory_space<vmem>> -> memref<1824xf32, #tpu.memory_space<vmem>>
      %dma_wait3A_215 = tpu.memref_slice %arg4[%mul3A_72] : memref<116736xf32, #tpu.memory_space<hbm>> -> memref<1824xf32, #tpu.memory_space<hbm>>
      tpu.wait_dma2 semaphore(%run_scoped3A : memref<!tpu.dma_semaphore, #tpu.memory_space<semaphore_mem>>) src(%dma_wait3A_215 : memref<1824xf32, #tpu.memory_space<hbm>>) dst(%dma_wait3A_214 : memref<1824xf32, #tpu.memory_space<vmem>>)
      tpu.yield
    }) : () -> ()
    %mul3A_73 = arith.constant 2 : i32
    %mul3A_74 = arith.muli %add3A, %mul3A_73 : i32
    %add3A_75 = arith.constant 0 : i32
    %add3A_76 = arith.addi %mul3A_74, %add3A_75 : i32
    %mul3A_77 = arith.constant 1920 : i32
    %mul3A_78 = arith.muli %add3A_76, %mul3A_77 : i32
    "tpu.region"() ({
      %run_scoped3A = tpu.sem_alloc : memref<!tpu.dma_semaphore, #tpu.memory_space<semaphore_mem>>
      %dma_start3A = arith.constant 24672 : i32
      %dma_start3A_206 = tpu.memref_slice %arg6[%dma_start3A] : memref<65792xf32, #tpu.memory_space<vmem>> -> memref<1920xf32, #tpu.memory_space<vmem>>
      %dma_start3A_207 = tpu.memref_slice %arg2[%mul3A_78] : memref<122880xf32, #tpu.memory_space<hbm>> -> memref<1920xf32, #tpu.memory_space<hbm>>
      %dma_start3A_208 = arith.constant 24672 : i32
      %dma_start3A_209 = tpu.memref_slice %arg6[%dma_start3A_208] : memref<65792xf32, #tpu.memory_space<vmem>> -> memref<1920xf32, #tpu.memory_space<vmem>>
      %dma_start3A_210 = tpu.memref_slice %arg2[%mul3A_78] : memref<122880xf32, #tpu.memory_space<hbm>> -> memref<1920xf32, #tpu.memory_space<hbm>>
      tpu.enqueue_dma source(%dma_start3A_210 : memref<1920xf32, #tpu.memory_space<hbm>>) target(%dma_start3A_209 : memref<1920xf32, #tpu.memory_space<vmem>>) target_semaphore(%run_scoped3A : memref<!tpu.dma_semaphore, #tpu.memory_space<semaphore_mem>>)
      %dma_wait3A = arith.constant 24672 : i32
      %dma_wait3A_211 = tpu.memref_slice %arg6[%dma_wait3A] : memref<65792xf32, #tpu.memory_space<vmem>> -> memref<1920xf32, #tpu.memory_space<vmem>>
      %dma_wait3A_212 = tpu.memref_slice %arg2[%mul3A_78] : memref<122880xf32, #tpu.memory_space<hbm>> -> memref<1920xf32, #tpu.memory_space<hbm>>
      %dma_wait3A_213 = arith.constant 24672 : i32
      %dma_wait3A_214 = tpu.memref_slice %arg6[%dma_wait3A_213] : memref<65792xf32, #tpu.memory_space<vmem>> -> memref<1920xf32, #tpu.memory_space<vmem>>
      %dma_wait3A_215 = tpu.memref_slice %arg2[%mul3A_78] : memref<122880xf32, #tpu.memory_space<hbm>> -> memref<1920xf32, #tpu.memory_space<hbm>>
      tpu.wait_dma2 semaphore(%run_scoped3A : memref<!tpu.dma_semaphore, #tpu.memory_space<semaphore_mem>>) src(%dma_wait3A_215 : memref<1920xf32, #tpu.memory_space<hbm>>) dst(%dma_wait3A_214 : memref<1920xf32, #tpu.memory_space<vmem>>)
      tpu.yield
    }) : () -> ()
    %add3A_79 = arith.constant 192 : i32
    %add3A_80 = arith.addi %add3A_79, %add3A_76 : i32
    %mul3A_81 = arith.constant 384 : i32
    %mul3A_82 = arith.muli %add3A_80, %mul3A_81 : i32
    "tpu.region"() ({
      %run_scoped3A = tpu.sem_alloc : memref<!tpu.dma_semaphore, #tpu.memory_space<semaphore_mem>>
      %dma_start3A = arith.constant 26576 : i32
      %dma_start3A_206 = tpu.memref_slice %arg6[%dma_start3A] : memref<65792xf32, #tpu.memory_space<vmem>> -> memref<384xf32, #tpu.memory_space<vmem>>
      %dma_start3A_207 = tpu.memref_slice %arg3[%mul3A_82] : memref<196608xf32, #tpu.memory_space<hbm>> -> memref<384xf32, #tpu.memory_space<hbm>>
      %dma_start3A_208 = arith.constant 26576 : i32
      %dma_start3A_209 = tpu.memref_slice %arg6[%dma_start3A_208] : memref<65792xf32, #tpu.memory_space<vmem>> -> memref<384xf32, #tpu.memory_space<vmem>>
      %dma_start3A_210 = tpu.memref_slice %arg3[%mul3A_82] : memref<196608xf32, #tpu.memory_space<hbm>> -> memref<384xf32, #tpu.memory_space<hbm>>
      tpu.enqueue_dma source(%dma_start3A_210 : memref<384xf32, #tpu.memory_space<hbm>>) target(%dma_start3A_209 : memref<384xf32, #tpu.memory_space<vmem>>) target_semaphore(%run_scoped3A : memref<!tpu.dma_semaphore, #tpu.memory_space<semaphore_mem>>)
      %dma_wait3A = arith.constant 26576 : i32
      %dma_wait3A_211 = tpu.memref_slice %arg6[%dma_wait3A] : memref<65792xf32, #tpu.memory_space<vmem>> -> memref<384xf32, #tpu.memory_space<vmem>>
      %dma_wait3A_212 = tpu.memref_slice %arg3[%mul3A_82] : memref<196608xf32, #tpu.memory_space<hbm>> -> memref<384xf32, #tpu.memory_space<hbm>>
      %dma_wait3A_213 = arith.constant 26576 : i32
      %dma_wait3A_214 = tpu.memref_slice %arg6[%dma_wait3A_213] : memref<65792xf32, #tpu.memory_space<vmem>> -> memref<384xf32, #tpu.memory_space<vmem>>
      %dma_wait3A_215 = tpu.memref_slice %arg3[%mul3A_82] : memref<196608xf32, #tpu.memory_space<hbm>> -> memref<384xf32, #tpu.memory_space<hbm>>
      tpu.wait_dma2 semaphore(%run_scoped3A : memref<!tpu.dma_semaphore, #tpu.memory_space<semaphore_mem>>) src(%dma_wait3A_215 : memref<384xf32, #tpu.memory_space<hbm>>) dst(%dma_wait3A_214 : memref<384xf32, #tpu.memory_space<vmem>>)
      tpu.yield
    }) : () -> ()
    %mul3A_83 = arith.constant 1824 : i32
    %mul3A_84 = arith.muli %add3A_76, %mul3A_83 : i32
    "tpu.region"() ({
      %run_scoped3A = tpu.sem_alloc : memref<!tpu.dma_semaphore, #tpu.memory_space<semaphore_mem>>
      %dma_start3A = arith.constant 26960 : i32
      %dma_start3A_206 = tpu.memref_slice %arg6[%dma_start3A] : memref<65792xf32, #tpu.memory_space<vmem>> -> memref<1824xf32, #tpu.memory_space<vmem>>
      %dma_start3A_207 = tpu.memref_slice %arg4[%mul3A_84] : memref<116736xf32, #tpu.memory_space<hbm>> -> memref<1824xf32, #tpu.memory_space<hbm>>
      %dma_start3A_208 = arith.constant 26960 : i32
      %dma_start3A_209 = tpu.memref_slice %arg6[%dma_start3A_208] : memref<65792xf32, #tpu.memory_space<vmem>> -> memref<1824xf32, #tpu.memory_space<vmem>>
      %dma_start3A_210 = tpu.memref_slice %arg4[%mul3A_84] : memref<116736xf32, #tpu.memory_space<hbm>> -> memref<1824xf32, #tpu.memory_space<hbm>>
      tpu.enqueue_dma source(%dma_start3A_210 : memref<1824xf32, #tpu.memory_space<hbm>>) target(%dma_start3A_209 : memref<1824xf32, #tpu.memory_space<vmem>>) target_semaphore(%run_scoped3A : memref<!tpu.dma_semaphore, #tpu.memory_space<semaphore_mem>>)
      %dma_wait3A = arith.constant 26960 : i32
      %dma_wait3A_211 = tpu.memref_slice %arg6[%dma_wait3A] : memref<65792xf32, #tpu.memory_space<vmem>> -> memref<1824xf32, #tpu.memory_space<vmem>>
      %dma_wait3A_212 = tpu.memref_slice %arg4[%mul3A_84] : memref<116736xf32, #tpu.memory_space<hbm>> -> memref<1824xf32, #tpu.memory_space<hbm>>
      %dma_wait3A_213 = arith.constant 26960 : i32
      %dma_wait3A_214 = tpu.memref_slice %arg6[%dma_wait3A_213] : memref<65792xf32, #tpu.memory_space<vmem>> -> memref<1824xf32, #tpu.memory_space<vmem>>
      %dma_wait3A_215 = tpu.memref_slice %arg4[%mul3A_84] : memref<116736xf32, #tpu.memory_space<hbm>> -> memref<1824xf32, #tpu.memory_space<hbm>>
      tpu.wait_dma2 semaphore(%run_scoped3A : memref<!tpu.dma_semaphore, #tpu.memory_space<semaphore_mem>>) src(%dma_wait3A_215 : memref<1824xf32, #tpu.memory_space<hbm>>) dst(%dma_wait3A_214 : memref<1824xf32, #tpu.memory_space<vmem>>)
      tpu.yield
    }) : () -> ()
    %mul3A_85 = arith.constant 2 : i32
    %mul3A_86 = arith.muli %add3A, %mul3A_85 : i32
    %add3A_87 = arith.constant 1 : i32
    %add3A_88 = arith.addi %mul3A_86, %add3A_87 : i32
    %mul3A_89 = arith.constant 1920 : i32
    %mul3A_90 = arith.muli %add3A_88, %mul3A_89 : i32
    "tpu.region"() ({
      %run_scoped3A = tpu.sem_alloc : memref<!tpu.dma_semaphore, #tpu.memory_space<semaphore_mem>>
      %dma_start3A = arith.constant 28784 : i32
      %dma_start3A_206 = tpu.memref_slice %arg6[%dma_start3A] : memref<65792xf32, #tpu.memory_space<vmem>> -> memref<1920xf32, #tpu.memory_space<vmem>>
      %dma_start3A_207 = tpu.memref_slice %arg2[%mul3A_90] : memref<122880xf32, #tpu.memory_space<hbm>> -> memref<1920xf32, #tpu.memory_space<hbm>>
      %dma_start3A_208 = arith.constant 28784 : i32
      %dma_start3A_209 = tpu.memref_slice %arg6[%dma_start3A_208] : memref<65792xf32, #tpu.memory_space<vmem>> -> memref<1920xf32, #tpu.memory_space<vmem>>
      %dma_start3A_210 = tpu.memref_slice %arg2[%mul3A_90] : memref<122880xf32, #tpu.memory_space<hbm>> -> memref<1920xf32, #tpu.memory_space<hbm>>
      tpu.enqueue_dma source(%dma_start3A_210 : memref<1920xf32, #tpu.memory_space<hbm>>) target(%dma_start3A_209 : memref<1920xf32, #tpu.memory_space<vmem>>) target_semaphore(%run_scoped3A : memref<!tpu.dma_semaphore, #tpu.memory_space<semaphore_mem>>)
      %dma_wait3A = arith.constant 28784 : i32
      %dma_wait3A_211 = tpu.memref_slice %arg6[%dma_wait3A] : memref<65792xf32, #tpu.memory_space<vmem>> -> memref<1920xf32, #tpu.memory_space<vmem>>
      %dma_wait3A_212 = tpu.memref_slice %arg2[%mul3A_90] : memref<122880xf32, #tpu.memory_space<hbm>> -> memref<1920xf32, #tpu.memory_space<hbm>>
      %dma_wait3A_213 = arith.constant 28784 : i32
      %dma_wait3A_214 = tpu.memref_slice %arg6[%dma_wait3A_213] : memref<65792xf32, #tpu.memory_space<vmem>> -> memref<1920xf32, #tpu.memory_space<vmem>>
      %dma_wait3A_215 = tpu.memref_slice %arg2[%mul3A_90] : memref<122880xf32, #tpu.memory_space<hbm>> -> memref<1920xf32, #tpu.memory_space<hbm>>
      tpu.wait_dma2 semaphore(%run_scoped3A : memref<!tpu.dma_semaphore, #tpu.memory_space<semaphore_mem>>) src(%dma_wait3A_215 : memref<1920xf32, #tpu.memory_space<hbm>>) dst(%dma_wait3A_214 : memref<1920xf32, #tpu.memory_space<vmem>>)
      tpu.yield
    }) : () -> ()
    %add3A_91 = arith.constant 192 : i32
    %add3A_92 = arith.addi %add3A_91, %add3A_88 : i32
    %mul3A_93 = arith.constant 384 : i32
    %mul3A_94 = arith.muli %add3A_92, %mul3A_93 : i32
    "tpu.region"() ({
      %run_scoped3A = tpu.sem_alloc : memref<!tpu.dma_semaphore, #tpu.memory_space<semaphore_mem>>
      %dma_start3A = arith.constant 30688 : i32
      %dma_start3A_206 = tpu.memref_slice %arg6[%dma_start3A] : memref<65792xf32, #tpu.memory_space<vmem>> -> memref<384xf32, #tpu.memory_space<vmem>>
      %dma_start3A_207 = tpu.memref_slice %arg3[%mul3A_94] : memref<196608xf32, #tpu.memory_space<hbm>> -> memref<384xf32, #tpu.memory_space<hbm>>
      %dma_start3A_208 = arith.constant 30688 : i32
      %dma_start3A_209 = tpu.memref_slice %arg6[%dma_start3A_208] : memref<65792xf32, #tpu.memory_space<vmem>> -> memref<384xf32, #tpu.memory_space<vmem>>
      %dma_start3A_210 = tpu.memref_slice %arg3[%mul3A_94] : memref<196608xf32, #tpu.memory_space<hbm>> -> memref<384xf32, #tpu.memory_space<hbm>>
      tpu.enqueue_dma source(%dma_start3A_210 : memref<384xf32, #tpu.memory_space<hbm>>) target(%dma_start3A_209 : memref<384xf32, #tpu.memory_space<vmem>>) target_semaphore(%run_scoped3A : memref<!tpu.dma_semaphore, #tpu.memory_space<semaphore_mem>>)
      %dma_wait3A = arith.constant 30688 : i32
      %dma_wait3A_211 = tpu.memref_slice %arg6[%dma_wait3A] : memref<65792xf32, #tpu.memory_space<vmem>> -> memref<384xf32, #tpu.memory_space<vmem>>
      %dma_wait3A_212 = tpu.memref_slice %arg3[%mul3A_94] : memref<196608xf32, #tpu.memory_space<hbm>> -> memref<384xf32, #tpu.memory_space<hbm>>
      %dma_wait3A_213 = arith.constant 30688 : i32
      %dma_wait3A_214 = tpu.memref_slice %arg6[%dma_wait3A_213] : memref<65792xf32, #tpu.memory_space<vmem>> -> memref<384xf32, #tpu.memory_space<vmem>>
      %dma_wait3A_215 = tpu.memref_slice %arg3[%mul3A_94] : memref<196608xf32, #tpu.memory_space<hbm>> -> memref<384xf32, #tpu.memory_space<hbm>>
      tpu.wait_dma2 semaphore(%run_scoped3A : memref<!tpu.dma_semaphore, #tpu.memory_space<semaphore_mem>>) src(%dma_wait3A_215 : memref<384xf32, #tpu.memory_space<hbm>>) dst(%dma_wait3A_214 : memref<384xf32, #tpu.memory_space<vmem>>)
      tpu.yield
    }) : () -> ()
    %mul3A_95 = arith.constant 1824 : i32
    %mul3A_96 = arith.muli %add3A_88, %mul3A_95 : i32
    "tpu.region"() ({
      %run_scoped3A = tpu.sem_alloc : memref<!tpu.dma_semaphore, #tpu.memory_space<semaphore_mem>>
      %dma_start3A = arith.constant 31072 : i32
      %dma_start3A_206 = tpu.memref_slice %arg6[%dma_start3A] : memref<65792xf32, #tpu.memory_space<vmem>> -> memref<1824xf32, #tpu.memory_space<vmem>>
      %dma_start3A_207 = tpu.memref_slice %arg4[%mul3A_96] : memref<116736xf32, #tpu.memory_space<hbm>> -> memref<1824xf32, #tpu.memory_space<hbm>>
      %dma_start3A_208 = arith.constant 31072 : i32
      %dma_start3A_209 = tpu.memref_slice %arg6[%dma_start3A_208] : memref<65792xf32, #tpu.memory_space<vmem>> -> memref<1824xf32, #tpu.memory_space<vmem>>
      %dma_start3A_210 = tpu.memref_slice %arg4[%mul3A_96] : memref<116736xf32, #tpu.memory_space<hbm>> -> memref<1824xf32, #tpu.memory_space<hbm>>
      tpu.enqueue_dma source(%dma_start3A_210 : memref<1824xf32, #tpu.memory_space<hbm>>) target(%dma_start3A_209 : memref<1824xf32, #tpu.memory_space<vmem>>) target_semaphore(%run_scoped3A : memref<!tpu.dma_semaphore, #tpu.memory_space<semaphore_mem>>)
      %dma_wait3A = arith.constant 31072 : i32
      %dma_wait3A_211 = tpu.memref_slice %arg6[%dma_wait3A] : memref<65792xf32, #tpu.memory_space<vmem>> -> memref<1824xf32, #tpu.memory_space<vmem>>
      %dma_wait3A_212 = tpu.memref_slice %arg4[%mul3A_96] : memref<116736xf32, #tpu.memory_space<hbm>> -> memref<1824xf32, #tpu.memory_space<hbm>>
      %dma_wait3A_213 = arith.constant 31072 : i32
      %dma_wait3A_214 = tpu.memref_slice %arg6[%dma_wait3A_213] : memref<65792xf32, #tpu.memory_space<vmem>> -> memref<1824xf32, #tpu.memory_space<vmem>>
      %dma_wait3A_215 = tpu.memref_slice %arg4[%mul3A_96] : memref<116736xf32, #tpu.memory_space<hbm>> -> memref<1824xf32, #tpu.memory_space<hbm>>
      tpu.wait_dma2 semaphore(%run_scoped3A : memref<!tpu.dma_semaphore, #tpu.memory_space<semaphore_mem>>) src(%dma_wait3A_215 : memref<1824xf32, #tpu.memory_space<hbm>>) dst(%dma_wait3A_214 : memref<1824xf32, #tpu.memory_space<vmem>>)
      tpu.yield
    }) : () -> ()
    %mul3A_97 = arith.constant 2 : i32
    %mul3A_98 = arith.muli %add3A, %mul3A_97 : i32
    %add3A_99 = arith.constant 0 : i32
    %add3A_100 = arith.addi %mul3A_98, %add3A_99 : i32
    %mul3A_101 = arith.constant 1920 : i32
    %mul3A_102 = arith.muli %add3A_100, %mul3A_101 : i32
    "tpu.region"() ({
      %run_scoped3A = tpu.sem_alloc : memref<!tpu.dma_semaphore, #tpu.memory_space<semaphore_mem>>
      %dma_start3A = arith.constant 32896 : i32
      %dma_start3A_206 = tpu.memref_slice %arg6[%dma_start3A] : memref<65792xf32, #tpu.memory_space<vmem>> -> memref<1920xf32, #tpu.memory_space<vmem>>
      %dma_start3A_207 = tpu.memref_slice %arg2[%mul3A_102] : memref<122880xf32, #tpu.memory_space<hbm>> -> memref<1920xf32, #tpu.memory_space<hbm>>
      %dma_start3A_208 = arith.constant 32896 : i32
      %dma_start3A_209 = tpu.memref_slice %arg6[%dma_start3A_208] : memref<65792xf32, #tpu.memory_space<vmem>> -> memref<1920xf32, #tpu.memory_space<vmem>>
      %dma_start3A_210 = tpu.memref_slice %arg2[%mul3A_102] : memref<122880xf32, #tpu.memory_space<hbm>> -> memref<1920xf32, #tpu.memory_space<hbm>>
      tpu.enqueue_dma source(%dma_start3A_210 : memref<1920xf32, #tpu.memory_space<hbm>>) target(%dma_start3A_209 : memref<1920xf32, #tpu.memory_space<vmem>>) target_semaphore(%run_scoped3A : memref<!tpu.dma_semaphore, #tpu.memory_space<semaphore_mem>>)
      %dma_wait3A = arith.constant 32896 : i32
      %dma_wait3A_211 = tpu.memref_slice %arg6[%dma_wait3A] : memref<65792xf32, #tpu.memory_space<vmem>> -> memref<1920xf32, #tpu.memory_space<vmem>>
      %dma_wait3A_212 = tpu.memref_slice %arg2[%mul3A_102] : memref<122880xf32, #tpu.memory_space<hbm>> -> memref<1920xf32, #tpu.memory_space<hbm>>
      %dma_wait3A_213 = arith.constant 32896 : i32
      %dma_wait3A_214 = tpu.memref_slice %arg6[%dma_wait3A_213] : memref<65792xf32, #tpu.memory_space<vmem>> -> memref<1920xf32, #tpu.memory_space<vmem>>
      %dma_wait3A_215 = tpu.memref_slice %arg2[%mul3A_102] : memref<122880xf32, #tpu.memory_space<hbm>> -> memref<1920xf32, #tpu.memory_space<hbm>>
      tpu.wait_dma2 semaphore(%run_scoped3A : memref<!tpu.dma_semaphore, #tpu.memory_space<semaphore_mem>>) src(%dma_wait3A_215 : memref<1920xf32, #tpu.memory_space<hbm>>) dst(%dma_wait3A_214 : memref<1920xf32, #tpu.memory_space<vmem>>)
      tpu.yield
    }) : () -> ()
    %add3A_103 = arith.constant 256 : i32
    %add3A_104 = arith.addi %add3A_103, %add3A_100 : i32
    %mul3A_105 = arith.constant 384 : i32
    %mul3A_106 = arith.muli %add3A_104, %mul3A_105 : i32
    "tpu.region"() ({
      %run_scoped3A = tpu.sem_alloc : memref<!tpu.dma_semaphore, #tpu.memory_space<semaphore_mem>>
      %dma_start3A = arith.constant 34800 : i32
      %dma_start3A_206 = tpu.memref_slice %arg6[%dma_start3A] : memref<65792xf32, #tpu.memory_space<vmem>> -> memref<384xf32, #tpu.memory_space<vmem>>
      %dma_start3A_207 = tpu.memref_slice %arg3[%mul3A_106] : memref<196608xf32, #tpu.memory_space<hbm>> -> memref<384xf32, #tpu.memory_space<hbm>>
      %dma_start3A_208 = arith.constant 34800 : i32
      %dma_start3A_209 = tpu.memref_slice %arg6[%dma_start3A_208] : memref<65792xf32, #tpu.memory_space<vmem>> -> memref<384xf32, #tpu.memory_space<vmem>>
      %dma_start3A_210 = tpu.memref_slice %arg3[%mul3A_106] : memref<196608xf32, #tpu.memory_space<hbm>> -> memref<384xf32, #tpu.memory_space<hbm>>
      tpu.enqueue_dma source(%dma_start3A_210 : memref<384xf32, #tpu.memory_space<hbm>>) target(%dma_start3A_209 : memref<384xf32, #tpu.memory_space<vmem>>) target_semaphore(%run_scoped3A : memref<!tpu.dma_semaphore, #tpu.memory_space<semaphore_mem>>)
      %dma_wait3A = arith.constant 34800 : i32
      %dma_wait3A_211 = tpu.memref_slice %arg6[%dma_wait3A] : memref<65792xf32, #tpu.memory_space<vmem>> -> memref<384xf32, #tpu.memory_space<vmem>>
      %dma_wait3A_212 = tpu.memref_slice %arg3[%mul3A_106] : memref<196608xf32, #tpu.memory_space<hbm>> -> memref<384xf32, #tpu.memory_space<hbm>>
      %dma_wait3A_213 = arith.constant 34800 : i32
      %dma_wait3A_214 = tpu.memref_slice %arg6[%dma_wait3A_213] : memref<65792xf32, #tpu.memory_space<vmem>> -> memref<384xf32, #tpu.memory_space<vmem>>
      %dma_wait3A_215 = tpu.memref_slice %arg3[%mul3A_106] : memref<196608xf32, #tpu.memory_space<hbm>> -> memref<384xf32, #tpu.memory_space<hbm>>
      tpu.wait_dma2 semaphore(%run_scoped3A : memref<!tpu.dma_semaphore, #tpu.memory_space<semaphore_mem>>) src(%dma_wait3A_215 : memref<384xf32, #tpu.memory_space<hbm>>) dst(%dma_wait3A_214 : memref<384xf32, #tpu.memory_space<vmem>>)
      tpu.yield
    }) : () -> ()
    %mul3A_107 = arith.constant 1824 : i32
    %mul3A_108 = arith.muli %add3A_100, %mul3A_107 : i32
    "tpu.region"() ({
      %run_scoped3A = tpu.sem_alloc : memref<!tpu.dma_semaphore, #tpu.memory_space<semaphore_mem>>
      %dma_start3A = arith.constant 35184 : i32
      %dma_start3A_206 = tpu.memref_slice %arg6[%dma_start3A] : memref<65792xf32, #tpu.memory_space<vmem>> -> memref<1824xf32, #tpu.memory_space<vmem>>
      %dma_start3A_207 = tpu.memref_slice %arg4[%mul3A_108] : memref<116736xf32, #tpu.memory_space<hbm>> -> memref<1824xf32, #tpu.memory_space<hbm>>
      %dma_start3A_208 = arith.constant 35184 : i32
      %dma_start3A_209 = tpu.memref_slice %arg6[%dma_start3A_208] : memref<65792xf32, #tpu.memory_space<vmem>> -> memref<1824xf32, #tpu.memory_space<vmem>>
      %dma_start3A_210 = tpu.memref_slice %arg4[%mul3A_108] : memref<116736xf32, #tpu.memory_space<hbm>> -> memref<1824xf32, #tpu.memory_space<hbm>>
      tpu.enqueue_dma source(%dma_start3A_210 : memref<1824xf32, #tpu.memory_space<hbm>>) target(%dma_start3A_209 : memref<1824xf32, #tpu.memory_space<vmem>>) target_semaphore(%run_scoped3A : memref<!tpu.dma_semaphore, #tpu.memory_space<semaphore_mem>>)
      %dma_wait3A = arith.constant 35184 : i32
      %dma_wait3A_211 = tpu.memref_slice %arg6[%dma_wait3A] : memref<65792xf32, #tpu.memory_space<vmem>> -> memref<1824xf32, #tpu.memory_space<vmem>>
      %dma_wait3A_212 = tpu.memref_slice %arg4[%mul3A_108] : memref<116736xf32, #tpu.memory_space<hbm>> -> memref<1824xf32, #tpu.memory_space<hbm>>
      %dma_wait3A_213 = arith.constant 35184 : i32
      %dma_wait3A_214 = tpu.memref_slice %arg6[%dma_wait3A_213] : memref<65792xf32, #tpu.memory_space<vmem>> -> memref<1824xf32, #tpu.memory_space<vmem>>
      %dma_wait3A_215 = tpu.memref_slice %arg4[%mul3A_108] : memref<116736xf32, #tpu.memory_space<hbm>> -> memref<1824xf32, #tpu.memory_space<hbm>>
      tpu.wait_dma2 semaphore(%run_scoped3A : memref<!tpu.dma_semaphore, #tpu.memory_space<semaphore_mem>>) src(%dma_wait3A_215 : memref<1824xf32, #tpu.memory_space<hbm>>) dst(%dma_wait3A_214 : memref<1824xf32, #tpu.memory_space<vmem>>)
      tpu.yield
    }) : () -> ()
    %mul3A_109 = arith.constant 2 : i32
    %mul3A_110 = arith.muli %add3A, %mul3A_109 : i32
    %add3A_111 = arith.constant 1 : i32
    %add3A_112 = arith.addi %mul3A_110, %add3A_111 : i32
    %mul3A_113 = arith.constant 1920 : i32
    %mul3A_114 = arith.muli %add3A_112, %mul3A_113 : i32
    "tpu.region"() ({
      %run_scoped3A = tpu.sem_alloc : memref<!tpu.dma_semaphore, #tpu.memory_space<semaphore_mem>>
      %dma_start3A = arith.constant 37008 : i32
      %dma_start3A_206 = tpu.memref_slice %arg6[%dma_start3A] : memref<65792xf32, #tpu.memory_space<vmem>> -> memref<1920xf32, #tpu.memory_space<vmem>>
      %dma_start3A_207 = tpu.memref_slice %arg2[%mul3A_114] : memref<122880xf32, #tpu.memory_space<hbm>> -> memref<1920xf32, #tpu.memory_space<hbm>>
      %dma_start3A_208 = arith.constant 37008 : i32
      %dma_start3A_209 = tpu.memref_slice %arg6[%dma_start3A_208] : memref<65792xf32, #tpu.memory_space<vmem>> -> memref<1920xf32, #tpu.memory_space<vmem>>
      %dma_start3A_210 = tpu.memref_slice %arg2[%mul3A_114] : memref<122880xf32, #tpu.memory_space<hbm>> -> memref<1920xf32, #tpu.memory_space<hbm>>
      tpu.enqueue_dma source(%dma_start3A_210 : memref<1920xf32, #tpu.memory_space<hbm>>) target(%dma_start3A_209 : memref<1920xf32, #tpu.memory_space<vmem>>) target_semaphore(%run_scoped3A : memref<!tpu.dma_semaphore, #tpu.memory_space<semaphore_mem>>)
      %dma_wait3A = arith.constant 37008 : i32
      %dma_wait3A_211 = tpu.memref_slice %arg6[%dma_wait3A] : memref<65792xf32, #tpu.memory_space<vmem>> -> memref<1920xf32, #tpu.memory_space<vmem>>
      %dma_wait3A_212 = tpu.memref_slice %arg2[%mul3A_114] : memref<122880xf32, #tpu.memory_space<hbm>> -> memref<1920xf32, #tpu.memory_space<hbm>>
      %dma_wait3A_213 = arith.constant 37008 : i32
      %dma_wait3A_214 = tpu.memref_slice %arg6[%dma_wait3A_213] : memref<65792xf32, #tpu.memory_space<vmem>> -> memref<1920xf32, #tpu.memory_space<vmem>>
      %dma_wait3A_215 = tpu.memref_slice %arg2[%mul3A_114] : memref<122880xf32, #tpu.memory_space<hbm>> -> memref<1920xf32, #tpu.memory_space<hbm>>
      tpu.wait_dma2 semaphore(%run_scoped3A : memref<!tpu.dma_semaphore, #tpu.memory_space<semaphore_mem>>) src(%dma_wait3A_215 : memref<1920xf32, #tpu.memory_space<hbm>>) dst(%dma_wait3A_214 : memref<1920xf32, #tpu.memory_space<vmem>>)
      tpu.yield
    }) : () -> ()
    %add3A_115 = arith.constant 256 : i32
    %add3A_116 = arith.addi %add3A_115, %add3A_112 : i32
    %mul3A_117 = arith.constant 384 : i32
    %mul3A_118 = arith.muli %add3A_116, %mul3A_117 : i32
    "tpu.region"() ({
      %run_scoped3A = tpu.sem_alloc : memref<!tpu.dma_semaphore, #tpu.memory_space<semaphore_mem>>
      %dma_start3A = arith.constant 38912 : i32
      %dma_start3A_206 = tpu.memref_slice %arg6[%dma_start3A] : memref<65792xf32, #tpu.memory_space<vmem>> -> memref<384xf32, #tpu.memory_space<vmem>>
      %dma_start3A_207 = tpu.memref_slice %arg3[%mul3A_118] : memref<196608xf32, #tpu.memory_space<hbm>> -> memref<384xf32, #tpu.memory_space<hbm>>
      %dma_start3A_208 = arith.constant 38912 : i32
      %dma_start3A_209 = tpu.memref_slice %arg6[%dma_start3A_208] : memref<65792xf32, #tpu.memory_space<vmem>> -> memref<384xf32, #tpu.memory_space<vmem>>
      %dma_start3A_210 = tpu.memref_slice %arg3[%mul3A_118] : memref<196608xf32, #tpu.memory_space<hbm>> -> memref<384xf32, #tpu.memory_space<hbm>>
      tpu.enqueue_dma source(%dma_start3A_210 : memref<384xf32, #tpu.memory_space<hbm>>) target(%dma_start3A_209 : memref<384xf32, #tpu.memory_space<vmem>>) target_semaphore(%run_scoped3A : memref<!tpu.dma_semaphore, #tpu.memory_space<semaphore_mem>>)
      %dma_wait3A = arith.constant 38912 : i32
      %dma_wait3A_211 = tpu.memref_slice %arg6[%dma_wait3A] : memref<65792xf32, #tpu.memory_space<vmem>> -> memref<384xf32, #tpu.memory_space<vmem>>
      %dma_wait3A_212 = tpu.memref_slice %arg3[%mul3A_118] : memref<196608xf32, #tpu.memory_space<hbm>> -> memref<384xf32, #tpu.memory_space<hbm>>
      %dma_wait3A_213 = arith.constant 38912 : i32
      %dma_wait3A_214 = tpu.memref_slice %arg6[%dma_wait3A_213] : memref<65792xf32, #tpu.memory_space<vmem>> -> memref<384xf32, #tpu.memory_space<vmem>>
      %dma_wait3A_215 = tpu.memref_slice %arg3[%mul3A_118] : memref<196608xf32, #tpu.memory_space<hbm>> -> memref<384xf32, #tpu.memory_space<hbm>>
      tpu.wait_dma2 semaphore(%run_scoped3A : memref<!tpu.dma_semaphore, #tpu.memory_space<semaphore_mem>>) src(%dma_wait3A_215 : memref<384xf32, #tpu.memory_space<hbm>>) dst(%dma_wait3A_214 : memref<384xf32, #tpu.memory_space<vmem>>)
      tpu.yield
    }) : () -> ()
    %mul3A_119 = arith.constant 1824 : i32
    %mul3A_120 = arith.muli %add3A_112, %mul3A_119 : i32
    "tpu.region"() ({
      %run_scoped3A = tpu.sem_alloc : memref<!tpu.dma_semaphore, #tpu.memory_space<semaphore_mem>>
      %dma_start3A = arith.constant 39296 : i32
      %dma_start3A_206 = tpu.memref_slice %arg6[%dma_start3A] : memref<65792xf32, #tpu.memory_space<vmem>> -> memref<1824xf32, #tpu.memory_space<vmem>>
      %dma_start3A_207 = tpu.memref_slice %arg4[%mul3A_120] : memref<116736xf32, #tpu.memory_space<hbm>> -> memref<1824xf32, #tpu.memory_space<hbm>>
      %dma_start3A_208 = arith.constant 39296 : i32
      %dma_start3A_209 = tpu.memref_slice %arg6[%dma_start3A_208] : memref<65792xf32, #tpu.memory_space<vmem>> -> memref<1824xf32, #tpu.memory_space<vmem>>
      %dma_start3A_210 = tpu.memref_slice %arg4[%mul3A_120] : memref<116736xf32, #tpu.memory_space<hbm>> -> memref<1824xf32, #tpu.memory_space<hbm>>
      tpu.enqueue_dma source(%dma_start3A_210 : memref<1824xf32, #tpu.memory_space<hbm>>) target(%dma_start3A_209 : memref<1824xf32, #tpu.memory_space<vmem>>) target_semaphore(%run_scoped3A : memref<!tpu.dma_semaphore, #tpu.memory_space<semaphore_mem>>)
      %dma_wait3A = arith.constant 39296 : i32
      %dma_wait3A_211 = tpu.memref_slice %arg6[%dma_wait3A] : memref<65792xf32, #tpu.memory_space<vmem>> -> memref<1824xf32, #tpu.memory_space<vmem>>
      %dma_wait3A_212 = tpu.memref_slice %arg4[%mul3A_120] : memref<116736xf32, #tpu.memory_space<hbm>> -> memref<1824xf32, #tpu.memory_space<hbm>>
      %dma_wait3A_213 = arith.constant 39296 : i32
      %dma_wait3A_214 = tpu.memref_slice %arg6[%dma_wait3A_213] : memref<65792xf32, #tpu.memory_space<vmem>> -> memref<1824xf32, #tpu.memory_space<vmem>>
      %dma_wait3A_215 = tpu.memref_slice %arg4[%mul3A_120] : memref<116736xf32, #tpu.memory_space<hbm>> -> memref<1824xf32, #tpu.memory_space<hbm>>
      tpu.wait_dma2 semaphore(%run_scoped3A : memref<!tpu.dma_semaphore, #tpu.memory_space<semaphore_mem>>) src(%dma_wait3A_215 : memref<1824xf32, #tpu.memory_space<hbm>>) dst(%dma_wait3A_214 : memref<1824xf32, #tpu.memory_space<vmem>>)
      tpu.yield
    }) : () -> ()
    %mul3A_121 = arith.constant 2 : i32
    %mul3A_122 = arith.muli %add3A, %mul3A_121 : i32
    %add3A_123 = arith.constant 0 : i32
    %add3A_124 = arith.addi %mul3A_122, %add3A_123 : i32
    %mul3A_125 = arith.constant 1920 : i32
    %mul3A_126 = arith.muli %add3A_124, %mul3A_125 : i32
    "tpu.region"() ({
      %run_scoped3A = tpu.sem_alloc : memref<!tpu.dma_semaphore, #tpu.memory_space<semaphore_mem>>
      %dma_start3A = arith.constant 41120 : i32
      %dma_start3A_206 = tpu.memref_slice %arg6[%dma_start3A] : memref<65792xf32, #tpu.memory_space<vmem>> -> memref<1920xf32, #tpu.memory_space<vmem>>
      %dma_start3A_207 = tpu.memref_slice %arg2[%mul3A_126] : memref<122880xf32, #tpu.memory_space<hbm>> -> memref<1920xf32, #tpu.memory_space<hbm>>
      %dma_start3A_208 = arith.constant 41120 : i32
      %dma_start3A_209 = tpu.memref_slice %arg6[%dma_start3A_208] : memref<65792xf32, #tpu.memory_space<vmem>> -> memref<1920xf32, #tpu.memory_space<vmem>>
      %dma_start3A_210 = tpu.memref_slice %arg2[%mul3A_126] : memref<122880xf32, #tpu.memory_space<hbm>> -> memref<1920xf32, #tpu.memory_space<hbm>>
      tpu.enqueue_dma source(%dma_start3A_210 : memref<1920xf32, #tpu.memory_space<hbm>>) target(%dma_start3A_209 : memref<1920xf32, #tpu.memory_space<vmem>>) target_semaphore(%run_scoped3A : memref<!tpu.dma_semaphore, #tpu.memory_space<semaphore_mem>>)
      %dma_wait3A = arith.constant 41120 : i32
      %dma_wait3A_211 = tpu.memref_slice %arg6[%dma_wait3A] : memref<65792xf32, #tpu.memory_space<vmem>> -> memref<1920xf32, #tpu.memory_space<vmem>>
      %dma_wait3A_212 = tpu.memref_slice %arg2[%mul3A_126] : memref<122880xf32, #tpu.memory_space<hbm>> -> memref<1920xf32, #tpu.memory_space<hbm>>
      %dma_wait3A_213 = arith.constant 41120 : i32
      %dma_wait3A_214 = tpu.memref_slice %arg6[%dma_wait3A_213] : memref<65792xf32, #tpu.memory_space<vmem>> -> memref<1920xf32, #tpu.memory_space<vmem>>
      %dma_wait3A_215 = tpu.memref_slice %arg2[%mul3A_126] : memref<122880xf32, #tpu.memory_space<hbm>> -> memref<1920xf32, #tpu.memory_space<hbm>>
      tpu.wait_dma2 semaphore(%run_scoped3A : memref<!tpu.dma_semaphore, #tpu.memory_space<semaphore_mem>>) src(%dma_wait3A_215 : memref<1920xf32, #tpu.memory_space<hbm>>) dst(%dma_wait3A_214 : memref<1920xf32, #tpu.memory_space<vmem>>)
      tpu.yield
    }) : () -> ()
    %add3A_127 = arith.constant 320 : i32
    %add3A_128 = arith.addi %add3A_127, %add3A_124 : i32
    %mul3A_129 = arith.constant 384 : i32
    %mul3A_130 = arith.muli %add3A_128, %mul3A_129 : i32
    "tpu.region"() ({
      %run_scoped3A = tpu.sem_alloc : memref<!tpu.dma_semaphore, #tpu.memory_space<semaphore_mem>>
      %dma_start3A = arith.constant 43024 : i32
      %dma_start3A_206 = tpu.memref_slice %arg6[%dma_start3A] : memref<65792xf32, #tpu.memory_space<vmem>> -> memref<384xf32, #tpu.memory_space<vmem>>
      %dma_start3A_207 = tpu.memref_slice %arg3[%mul3A_130] : memref<196608xf32, #tpu.memory_space<hbm>> -> memref<384xf32, #tpu.memory_space<hbm>>
      %dma_start3A_208 = arith.constant 43024 : i32
      %dma_start3A_209 = tpu.memref_slice %arg6[%dma_start3A_208] : memref<65792xf32, #tpu.memory_space<vmem>> -> memref<384xf32, #tpu.memory_space<vmem>>
      %dma_start3A_210 = tpu.memref_slice %arg3[%mul3A_130] : memref<196608xf32, #tpu.memory_space<hbm>> -> memref<384xf32, #tpu.memory_space<hbm>>
      tpu.enqueue_dma source(%dma_start3A_210 : memref<384xf32, #tpu.memory_space<hbm>>) target(%dma_start3A_209 : memref<384xf32, #tpu.memory_space<vmem>>) target_semaphore(%run_scoped3A : memref<!tpu.dma_semaphore, #tpu.memory_space<semaphore_mem>>)
      %dma_wait3A = arith.constant 43024 : i32
      %dma_wait3A_211 = tpu.memref_slice %arg6[%dma_wait3A] : memref<65792xf32, #tpu.memory_space<vmem>> -> memref<384xf32, #tpu.memory_space<vmem>>
      %dma_wait3A_212 = tpu.memref_slice %arg3[%mul3A_130] : memref<196608xf32, #tpu.memory_space<hbm>> -> memref<384xf32, #tpu.memory_space<hbm>>
      %dma_wait3A_213 = arith.constant 43024 : i32
      %dma_wait3A_214 = tpu.memref_slice %arg6[%dma_wait3A_213] : memref<65792xf32, #tpu.memory_space<vmem>> -> memref<384xf32, #tpu.memory_space<vmem>>
      %dma_wait3A_215 = tpu.memref_slice %arg3[%mul3A_130] : memref<196608xf32, #tpu.memory_space<hbm>> -> memref<384xf32, #tpu.memory_space<hbm>>
      tpu.wait_dma2 semaphore(%run_scoped3A : memref<!tpu.dma_semaphore, #tpu.memory_space<semaphore_mem>>) src(%dma_wait3A_215 : memref<384xf32, #tpu.memory_space<hbm>>) dst(%dma_wait3A_214 : memref<384xf32, #tpu.memory_space<vmem>>)
      tpu.yield
    }) : () -> ()
    %mul3A_131 = arith.constant 1824 : i32
    %mul3A_132 = arith.muli %add3A_124, %mul3A_131 : i32
    "tpu.region"() ({
      %run_scoped3A = tpu.sem_alloc : memref<!tpu.dma_semaphore, #tpu.memory_space<semaphore_mem>>
      %dma_start3A = arith.constant 43408 : i32
      %dma_start3A_206 = tpu.memref_slice %arg6[%dma_start3A] : memref<65792xf32, #tpu.memory_space<vmem>> -> memref<1824xf32, #tpu.memory_space<vmem>>
      %dma_start3A_207 = tpu.memref_slice %arg4[%mul3A_132] : memref<116736xf32, #tpu.memory_space<hbm>> -> memref<1824xf32, #tpu.memory_space<hbm>>
      %dma_start3A_208 = arith.constant 43408 : i32
      %dma_start3A_209 = tpu.memref_slice %arg6[%dma_start3A_208] : memref<65792xf32, #tpu.memory_space<vmem>> -> memref<1824xf32, #tpu.memory_space<vmem>>
      %dma_start3A_210 = tpu.memref_slice %arg4[%mul3A_132] : memref<116736xf32, #tpu.memory_space<hbm>> -> memref<1824xf32, #tpu.memory_space<hbm>>
      tpu.enqueue_dma source(%dma_start3A_210 : memref<1824xf32, #tpu.memory_space<hbm>>) target(%dma_start3A_209 : memref<1824xf32, #tpu.memory_space<vmem>>) target_semaphore(%run_scoped3A : memref<!tpu.dma_semaphore, #tpu.memory_space<semaphore_mem>>)
      %dma_wait3A = arith.constant 43408 : i32
      %dma_wait3A_211 = tpu.memref_slice %arg6[%dma_wait3A] : memref<65792xf32, #tpu.memory_space<vmem>> -> memref<1824xf32, #tpu.memory_space<vmem>>
      %dma_wait3A_212 = tpu.memref_slice %arg4[%mul3A_132] : memref<116736xf32, #tpu.memory_space<hbm>> -> memref<1824xf32, #tpu.memory_space<hbm>>
      %dma_wait3A_213 = arith.constant 43408 : i32
      %dma_wait3A_214 = tpu.memref_slice %arg6[%dma_wait3A_213] : memref<65792xf32, #tpu.memory_space<vmem>> -> memref<1824xf32, #tpu.memory_space<vmem>>
      %dma_wait3A_215 = tpu.memref_slice %arg4[%mul3A_132] : memref<116736xf32, #tpu.memory_space<hbm>> -> memref<1824xf32, #tpu.memory_space<hbm>>
      tpu.wait_dma2 semaphore(%run_scoped3A : memref<!tpu.dma_semaphore, #tpu.memory_space<semaphore_mem>>) src(%dma_wait3A_215 : memref<1824xf32, #tpu.memory_space<hbm>>) dst(%dma_wait3A_214 : memref<1824xf32, #tpu.memory_space<vmem>>)
      tpu.yield
    }) : () -> ()
    %mul3A_133 = arith.constant 2 : i32
    %mul3A_134 = arith.muli %add3A, %mul3A_133 : i32
    %add3A_135 = arith.constant 1 : i32
    %add3A_136 = arith.addi %mul3A_134, %add3A_135 : i32
    %mul3A_137 = arith.constant 1920 : i32
    %mul3A_138 = arith.muli %add3A_136, %mul3A_137 : i32
    "tpu.region"() ({
      %run_scoped3A = tpu.sem_alloc : memref<!tpu.dma_semaphore, #tpu.memory_space<semaphore_mem>>
      %dma_start3A = arith.constant 45232 : i32
      %dma_start3A_206 = tpu.memref_slice %arg6[%dma_start3A] : memref<65792xf32, #tpu.memory_space<vmem>> -> memref<1920xf32, #tpu.memory_space<vmem>>
      %dma_start3A_207 = tpu.memref_slice %arg2[%mul3A_138] : memref<122880xf32, #tpu.memory_space<hbm>> -> memref<1920xf32, #tpu.memory_space<hbm>>
      %dma_start3A_208 = arith.constant 45232 : i32
      %dma_start3A_209 = tpu.memref_slice %arg6[%dma_start3A_208] : memref<65792xf32, #tpu.memory_space<vmem>> -> memref<1920xf32, #tpu.memory_space<vmem>>
      %dma_start3A_210 = tpu.memref_slice %arg2[%mul3A_138] : memref<122880xf32, #tpu.memory_space<hbm>> -> memref<1920xf32, #tpu.memory_space<hbm>>
      tpu.enqueue_dma source(%dma_start3A_210 : memref<1920xf32, #tpu.memory_space<hbm>>) target(%dma_start3A_209 : memref<1920xf32, #tpu.memory_space<vmem>>) target_semaphore(%run_scoped3A : memref<!tpu.dma_semaphore, #tpu.memory_space<semaphore_mem>>)
      %dma_wait3A = arith.constant 45232 : i32
      %dma_wait3A_211 = tpu.memref_slice %arg6[%dma_wait3A] : memref<65792xf32, #tpu.memory_space<vmem>> -> memref<1920xf32, #tpu.memory_space<vmem>>
      %dma_wait3A_212 = tpu.memref_slice %arg2[%mul3A_138] : memref<122880xf32, #tpu.memory_space<hbm>> -> memref<1920xf32, #tpu.memory_space<hbm>>
      %dma_wait3A_213 = arith.constant 45232 : i32
      %dma_wait3A_214 = tpu.memref_slice %arg6[%dma_wait3A_213] : memref<65792xf32, #tpu.memory_space<vmem>> -> memref<1920xf32, #tpu.memory_space<vmem>>
      %dma_wait3A_215 = tpu.memref_slice %arg2[%mul3A_138] : memref<122880xf32, #tpu.memory_space<hbm>> -> memref<1920xf32, #tpu.memory_space<hbm>>
      tpu.wait_dma2 semaphore(%run_scoped3A : memref<!tpu.dma_semaphore, #tpu.memory_space<semaphore_mem>>) src(%dma_wait3A_215 : memref<1920xf32, #tpu.memory_space<hbm>>) dst(%dma_wait3A_214 : memref<1920xf32, #tpu.memory_space<vmem>>)
      tpu.yield
    }) : () -> ()
    %add3A_139 = arith.constant 320 : i32
    %add3A_140 = arith.addi %add3A_139, %add3A_136 : i32
    %mul3A_141 = arith.constant 384 : i32
    %mul3A_142 = arith.muli %add3A_140, %mul3A_141 : i32
    "tpu.region"() ({
      %run_scoped3A = tpu.sem_alloc : memref<!tpu.dma_semaphore, #tpu.memory_space<semaphore_mem>>
      %dma_start3A = arith.constant 47136 : i32
      %dma_start3A_206 = tpu.memref_slice %arg6[%dma_start3A] : memref<65792xf32, #tpu.memory_space<vmem>> -> memref<384xf32, #tpu.memory_space<vmem>>
      %dma_start3A_207 = tpu.memref_slice %arg3[%mul3A_142] : memref<196608xf32, #tpu.memory_space<hbm>> -> memref<384xf32, #tpu.memory_space<hbm>>
      %dma_start3A_208 = arith.constant 47136 : i32
      %dma_start3A_209 = tpu.memref_slice %arg6[%dma_start3A_208] : memref<65792xf32, #tpu.memory_space<vmem>> -> memref<384xf32, #tpu.memory_space<vmem>>
      %dma_start3A_210 = tpu.memref_slice %arg3[%mul3A_142] : memref<196608xf32, #tpu.memory_space<hbm>> -> memref<384xf32, #tpu.memory_space<hbm>>
      tpu.enqueue_dma source(%dma_start3A_210 : memref<384xf32, #tpu.memory_space<hbm>>) target(%dma_start3A_209 : memref<384xf32, #tpu.memory_space<vmem>>) target_semaphore(%run_scoped3A : memref<!tpu.dma_semaphore, #tpu.memory_space<semaphore_mem>>)
      %dma_wait3A = arith.constant 47136 : i32
      %dma_wait3A_211 = tpu.memref_slice %arg6[%dma_wait3A] : memref<65792xf32, #tpu.memory_space<vmem>> -> memref<384xf32, #tpu.memory_space<vmem>>
      %dma_wait3A_212 = tpu.memref_slice %arg3[%mul3A_142] : memref<196608xf32, #tpu.memory_space<hbm>> -> memref<384xf32, #tpu.memory_space<hbm>>
      %dma_wait3A_213 = arith.constant 47136 : i32
      %dma_wait3A_214 = tpu.memref_slice %arg6[%dma_wait3A_213] : memref<65792xf32, #tpu.memory_space<vmem>> -> memref<384xf32, #tpu.memory_space<vmem>>
      %dma_wait3A_215 = tpu.memref_slice %arg3[%mul3A_142] : memref<196608xf32, #tpu.memory_space<hbm>> -> memref<384xf32, #tpu.memory_space<hbm>>
      tpu.wait_dma2 semaphore(%run_scoped3A : memref<!tpu.dma_semaphore, #tpu.memory_space<semaphore_mem>>) src(%dma_wait3A_215 : memref<384xf32, #tpu.memory_space<hbm>>) dst(%dma_wait3A_214 : memref<384xf32, #tpu.memory_space<vmem>>)
      tpu.yield
    }) : () -> ()
    %mul3A_143 = arith.constant 1824 : i32
    %mul3A_144 = arith.muli %add3A_136, %mul3A_143 : i32
    "tpu.region"() ({
      %run_scoped3A = tpu.sem_alloc : memref<!tpu.dma_semaphore, #tpu.memory_space<semaphore_mem>>
      %dma_start3A = arith.constant 47520 : i32
      %dma_start3A_206 = tpu.memref_slice %arg6[%dma_start3A] : memref<65792xf32, #tpu.memory_space<vmem>> -> memref<1824xf32, #tpu.memory_space<vmem>>
      %dma_start3A_207 = tpu.memref_slice %arg4[%mul3A_144] : memref<116736xf32, #tpu.memory_space<hbm>> -> memref<1824xf32, #tpu.memory_space<hbm>>
      %dma_start3A_208 = arith.constant 47520 : i32
      %dma_start3A_209 = tpu.memref_slice %arg6[%dma_start3A_208] : memref<65792xf32, #tpu.memory_space<vmem>> -> memref<1824xf32, #tpu.memory_space<vmem>>
      %dma_start3A_210 = tpu.memref_slice %arg4[%mul3A_144] : memref<116736xf32, #tpu.memory_space<hbm>> -> memref<1824xf32, #tpu.memory_space<hbm>>
      tpu.enqueue_dma source(%dma_start3A_210 : memref<1824xf32, #tpu.memory_space<hbm>>) target(%dma_start3A_209 : memref<1824xf32, #tpu.memory_space<vmem>>) target_semaphore(%run_scoped3A : memref<!tpu.dma_semaphore, #tpu.memory_space<semaphore_mem>>)
      %dma_wait3A = arith.constant 47520 : i32
      %dma_wait3A_211 = tpu.memref_slice %arg6[%dma_wait3A] : memref<65792xf32, #tpu.memory_space<vmem>> -> memref<1824xf32, #tpu.memory_space<vmem>>
      %dma_wait3A_212 = tpu.memref_slice %arg4[%mul3A_144] : memref<116736xf32, #tpu.memory_space<hbm>> -> memref<1824xf32, #tpu.memory_space<hbm>>
      %dma_wait3A_213 = arith.constant 47520 : i32
      %dma_wait3A_214 = tpu.memref_slice %arg6[%dma_wait3A_213] : memref<65792xf32, #tpu.memory_space<vmem>> -> memref<1824xf32, #tpu.memory_space<vmem>>
      %dma_wait3A_215 = tpu.memref_slice %arg4[%mul3A_144] : memref<116736xf32, #tpu.memory_space<hbm>> -> memref<1824xf32, #tpu.memory_space<hbm>>
      tpu.wait_dma2 semaphore(%run_scoped3A : memref<!tpu.dma_semaphore, #tpu.memory_space<semaphore_mem>>) src(%dma_wait3A_215 : memref<1824xf32, #tpu.memory_space<hbm>>) dst(%dma_wait3A_214 : memref<1824xf32, #tpu.memory_space<vmem>>)
      tpu.yield
    }) : () -> ()
    %mul3A_145 = arith.constant 2 : i32
    %mul3A_146 = arith.muli %add3A, %mul3A_145 : i32
    %add3A_147 = arith.constant 0 : i32
    %add3A_148 = arith.addi %mul3A_146, %add3A_147 : i32
    %mul3A_149 = arith.constant 1920 : i32
    %mul3A_150 = arith.muli %add3A_148, %mul3A_149 : i32
    "tpu.region"() ({
      %run_scoped3A = tpu.sem_alloc : memref<!tpu.dma_semaphore, #tpu.memory_space<semaphore_mem>>
      %dma_start3A = arith.constant 49344 : i32
      %dma_start3A_206 = tpu.memref_slice %arg6[%dma_start3A] : memref<65792xf32, #tpu.memory_space<vmem>> -> memref<1920xf32, #tpu.memory_space<vmem>>
      %dma_start3A_207 = tpu.memref_slice %arg2[%mul3A_150] : memref<122880xf32, #tpu.memory_space<hbm>> -> memref<1920xf32, #tpu.memory_space<hbm>>
      %dma_start3A_208 = arith.constant 49344 : i32
      %dma_start3A_209 = tpu.memref_slice %arg6[%dma_start3A_208] : memref<65792xf32, #tpu.memory_space<vmem>> -> memref<1920xf32, #tpu.memory_space<vmem>>
      %dma_start3A_210 = tpu.memref_slice %arg2[%mul3A_150] : memref<122880xf32, #tpu.memory_space<hbm>> -> memref<1920xf32, #tpu.memory_space<hbm>>
      tpu.enqueue_dma source(%dma_start3A_210 : memref<1920xf32, #tpu.memory_space<hbm>>) target(%dma_start3A_209 : memref<1920xf32, #tpu.memory_space<vmem>>) target_semaphore(%run_scoped3A : memref<!tpu.dma_semaphore, #tpu.memory_space<semaphore_mem>>)
      %dma_wait3A = arith.constant 49344 : i32
      %dma_wait3A_211 = tpu.memref_slice %arg6[%dma_wait3A] : memref<65792xf32, #tpu.memory_space<vmem>> -> memref<1920xf32, #tpu.memory_space<vmem>>
      %dma_wait3A_212 = tpu.memref_slice %arg2[%mul3A_150] : memref<122880xf32, #tpu.memory_space<hbm>> -> memref<1920xf32, #tpu.memory_space<hbm>>
      %dma_wait3A_213 = arith.constant 49344 : i32
      %dma_wait3A_214 = tpu.memref_slice %arg6[%dma_wait3A_213] : memref<65792xf32, #tpu.memory_space<vmem>> -> memref<1920xf32, #tpu.memory_space<vmem>>
      %dma_wait3A_215 = tpu.memref_slice %arg2[%mul3A_150] : memref<122880xf32, #tpu.memory_space<hbm>> -> memref<1920xf32, #tpu.memory_space<hbm>>
      tpu.wait_dma2 semaphore(%run_scoped3A : memref<!tpu.dma_semaphore, #tpu.memory_space<semaphore_mem>>) src(%dma_wait3A_215 : memref<1920xf32, #tpu.memory_space<hbm>>) dst(%dma_wait3A_214 : memref<1920xf32, #tpu.memory_space<vmem>>)
      tpu.yield
    }) : () -> ()
    %add3A_151 = arith.constant 384 : i32
    %add3A_152 = arith.addi %add3A_151, %add3A_148 : i32
    %mul3A_153 = arith.constant 384 : i32
    %mul3A_154 = arith.muli %add3A_152, %mul3A_153 : i32
    "tpu.region"() ({
      %run_scoped3A = tpu.sem_alloc : memref<!tpu.dma_semaphore, #tpu.memory_space<semaphore_mem>>
      %dma_start3A = arith.constant 51248 : i32
      %dma_start3A_206 = tpu.memref_slice %arg6[%dma_start3A] : memref<65792xf32, #tpu.memory_space<vmem>> -> memref<384xf32, #tpu.memory_space<vmem>>
      %dma_start3A_207 = tpu.memref_slice %arg3[%mul3A_154] : memref<196608xf32, #tpu.memory_space<hbm>> -> memref<384xf32, #tpu.memory_space<hbm>>
      %dma_start3A_208 = arith.constant 51248 : i32
      %dma_start3A_209 = tpu.memref_slice %arg6[%dma_start3A_208] : memref<65792xf32, #tpu.memory_space<vmem>> -> memref<384xf32, #tpu.memory_space<vmem>>
      %dma_start3A_210 = tpu.memref_slice %arg3[%mul3A_154] : memref<196608xf32, #tpu.memory_space<hbm>> -> memref<384xf32, #tpu.memory_space<hbm>>
      tpu.enqueue_dma source(%dma_start3A_210 : memref<384xf32, #tpu.memory_space<hbm>>) target(%dma_start3A_209 : memref<384xf32, #tpu.memory_space<vmem>>) target_semaphore(%run_scoped3A : memref<!tpu.dma_semaphore, #tpu.memory_space<semaphore_mem>>)
      %dma_wait3A = arith.constant 51248 : i32
      %dma_wait3A_211 = tpu.memref_slice %arg6[%dma_wait3A] : memref<65792xf32, #tpu.memory_space<vmem>> -> memref<384xf32, #tpu.memory_space<vmem>>
      %dma_wait3A_212 = tpu.memref_slice %arg3[%mul3A_154] : memref<196608xf32, #tpu.memory_space<hbm>> -> memref<384xf32, #tpu.memory_space<hbm>>
      %dma_wait3A_213 = arith.constant 51248 : i32
      %dma_wait3A_214 = tpu.memref_slice %arg6[%dma_wait3A_213] : memref<65792xf32, #tpu.memory_space<vmem>> -> memref<384xf32, #tpu.memory_space<vmem>>
      %dma_wait3A_215 = tpu.memref_slice %arg3[%mul3A_154] : memref<196608xf32, #tpu.memory_space<hbm>> -> memref<384xf32, #tpu.memory_space<hbm>>
      tpu.wait_dma2 semaphore(%run_scoped3A : memref<!tpu.dma_semaphore, #tpu.memory_space<semaphore_mem>>) src(%dma_wait3A_215 : memref<384xf32, #tpu.memory_space<hbm>>) dst(%dma_wait3A_214 : memref<384xf32, #tpu.memory_space<vmem>>)
      tpu.yield
    }) : () -> ()
    %mul3A_155 = arith.constant 1824 : i32
    %mul3A_156 = arith.muli %add3A_148, %mul3A_155 : i32
    "tpu.region"() ({
      %run_scoped3A = tpu.sem_alloc : memref<!tpu.dma_semaphore, #tpu.memory_space<semaphore_mem>>
      %dma_start3A = arith.constant 51632 : i32
      %dma_start3A_206 = tpu.memref_slice %arg6[%dma_start3A] : memref<65792xf32, #tpu.memory_space<vmem>> -> memref<1824xf32, #tpu.memory_space<vmem>>
      %dma_start3A_207 = tpu.memref_slice %arg4[%mul3A_156] : memref<116736xf32, #tpu.memory_space<hbm>> -> memref<1824xf32, #tpu.memory_space<hbm>>
      %dma_start3A_208 = arith.constant 51632 : i32
      %dma_start3A_209 = tpu.memref_slice %arg6[%dma_start3A_208] : memref<65792xf32, #tpu.memory_space<vmem>> -> memref<1824xf32, #tpu.memory_space<vmem>>
      %dma_start3A_210 = tpu.memref_slice %arg4[%mul3A_156] : memref<116736xf32, #tpu.memory_space<hbm>> -> memref<1824xf32, #tpu.memory_space<hbm>>
      tpu.enqueue_dma source(%dma_start3A_210 : memref<1824xf32, #tpu.memory_space<hbm>>) target(%dma_start3A_209 : memref<1824xf32, #tpu.memory_space<vmem>>) target_semaphore(%run_scoped3A : memref<!tpu.dma_semaphore, #tpu.memory_space<semaphore_mem>>)
      %dma_wait3A = arith.constant 51632 : i32
      %dma_wait3A_211 = tpu.memref_slice %arg6[%dma_wait3A] : memref<65792xf32, #tpu.memory_space<vmem>> -> memref<1824xf32, #tpu.memory_space<vmem>>
      %dma_wait3A_212 = tpu.memref_slice %arg4[%mul3A_156] : memref<116736xf32, #tpu.memory_space<hbm>> -> memref<1824xf32, #tpu.memory_space<hbm>>
      %dma_wait3A_213 = arith.constant 51632 : i32
      %dma_wait3A_214 = tpu.memref_slice %arg6[%dma_wait3A_213] : memref<65792xf32, #tpu.memory_space<vmem>> -> memref<1824xf32, #tpu.memory_space<vmem>>
      %dma_wait3A_215 = tpu.memref_slice %arg4[%mul3A_156] : memref<116736xf32, #tpu.memory_space<hbm>> -> memref<1824xf32, #tpu.memory_space<hbm>>
      tpu.wait_dma2 semaphore(%run_scoped3A : memref<!tpu.dma_semaphore, #tpu.memory_space<semaphore_mem>>) src(%dma_wait3A_215 : memref<1824xf32, #tpu.memory_space<hbm>>) dst(%dma_wait3A_214 : memref<1824xf32, #tpu.memory_space<vmem>>)
      tpu.yield
    }) : () -> ()
    %mul3A_157 = arith.constant 2 : i32
    %mul3A_158 = arith.muli %add3A, %mul3A_157 : i32
    %add3A_159 = arith.constant 1 : i32
    %add3A_160 = arith.addi %mul3A_158, %add3A_159 : i32
    %mul3A_161 = arith.constant 1920 : i32
    %mul3A_162 = arith.muli %add3A_160, %mul3A_161 : i32
    "tpu.region"() ({
      %run_scoped3A = tpu.sem_alloc : memref<!tpu.dma_semaphore, #tpu.memory_space<semaphore_mem>>
      %dma_start3A = arith.constant 53456 : i32
      %dma_start3A_206 = tpu.memref_slice %arg6[%dma_start3A] : memref<65792xf32, #tpu.memory_space<vmem>> -> memref<1920xf32, #tpu.memory_space<vmem>>
      %dma_start3A_207 = tpu.memref_slice %arg2[%mul3A_162] : memref<122880xf32, #tpu.memory_space<hbm>> -> memref<1920xf32, #tpu.memory_space<hbm>>
      %dma_start3A_208 = arith.constant 53456 : i32
      %dma_start3A_209 = tpu.memref_slice %arg6[%dma_start3A_208] : memref<65792xf32, #tpu.memory_space<vmem>> -> memref<1920xf32, #tpu.memory_space<vmem>>
      %dma_start3A_210 = tpu.memref_slice %arg2[%mul3A_162] : memref<122880xf32, #tpu.memory_space<hbm>> -> memref<1920xf32, #tpu.memory_space<hbm>>
      tpu.enqueue_dma source(%dma_start3A_210 : memref<1920xf32, #tpu.memory_space<hbm>>) target(%dma_start3A_209 : memref<1920xf32, #tpu.memory_space<vmem>>) target_semaphore(%run_scoped3A : memref<!tpu.dma_semaphore, #tpu.memory_space<semaphore_mem>>)
      %dma_wait3A = arith.constant 53456 : i32
      %dma_wait3A_211 = tpu.memref_slice %arg6[%dma_wait3A] : memref<65792xf32, #tpu.memory_space<vmem>> -> memref<1920xf32, #tpu.memory_space<vmem>>
      %dma_wait3A_212 = tpu.memref_slice %arg2[%mul3A_162] : memref<122880xf32, #tpu.memory_space<hbm>> -> memref<1920xf32, #tpu.memory_space<hbm>>
      %dma_wait3A_213 = arith.constant 53456 : i32
      %dma_wait3A_214 = tpu.memref_slice %arg6[%dma_wait3A_213] : memref<65792xf32, #tpu.memory_space<vmem>> -> memref<1920xf32, #tpu.memory_space<vmem>>
      %dma_wait3A_215 = tpu.memref_slice %arg2[%mul3A_162] : memref<122880xf32, #tpu.memory_space<hbm>> -> memref<1920xf32, #tpu.memory_space<hbm>>
      tpu.wait_dma2 semaphore(%run_scoped3A : memref<!tpu.dma_semaphore, #tpu.memory_space<semaphore_mem>>) src(%dma_wait3A_215 : memref<1920xf32, #tpu.memory_space<hbm>>) dst(%dma_wait3A_214 : memref<1920xf32, #tpu.memory_space<vmem>>)
      tpu.yield
    }) : () -> ()
    %add3A_163 = arith.constant 384 : i32
    %add3A_164 = arith.addi %add3A_163, %add3A_160 : i32
    %mul3A_165 = arith.constant 384 : i32
    %mul3A_166 = arith.muli %add3A_164, %mul3A_165 : i32
    "tpu.region"() ({
      %run_scoped3A = tpu.sem_alloc : memref<!tpu.dma_semaphore, #tpu.memory_space<semaphore_mem>>
      %dma_start3A = arith.constant 55360 : i32
      %dma_start3A_206 = tpu.memref_slice %arg6[%dma_start3A] : memref<65792xf32, #tpu.memory_space<vmem>> -> memref<384xf32, #tpu.memory_space<vmem>>
      %dma_start3A_207 = tpu.memref_slice %arg3[%mul3A_166] : memref<196608xf32, #tpu.memory_space<hbm>> -> memref<384xf32, #tpu.memory_space<hbm>>
      %dma_start3A_208 = arith.constant 55360 : i32
      %dma_start3A_209 = tpu.memref_slice %arg6[%dma_start3A_208] : memref<65792xf32, #tpu.memory_space<vmem>> -> memref<384xf32, #tpu.memory_space<vmem>>
      %dma_start3A_210 = tpu.memref_slice %arg3[%mul3A_166] : memref<196608xf32, #tpu.memory_space<hbm>> -> memref<384xf32, #tpu.memory_space<hbm>>
      tpu.enqueue_dma source(%dma_start3A_210 : memref<384xf32, #tpu.memory_space<hbm>>) target(%dma_start3A_209 : memref<384xf32, #tpu.memory_space<vmem>>) target_semaphore(%run_scoped3A : memref<!tpu.dma_semaphore, #tpu.memory_space<semaphore_mem>>)
      %dma_wait3A = arith.constant 55360 : i32
      %dma_wait3A_211 = tpu.memref_slice %arg6[%dma_wait3A] : memref<65792xf32, #tpu.memory_space<vmem>> -> memref<384xf32, #tpu.memory_space<vmem>>
      %dma_wait3A_212 = tpu.memref_slice %arg3[%mul3A_166] : memref<196608xf32, #tpu.memory_space<hbm>> -> memref<384xf32, #tpu.memory_space<hbm>>
      %dma_wait3A_213 = arith.constant 55360 : i32
      %dma_wait3A_214 = tpu.memref_slice %arg6[%dma_wait3A_213] : memref<65792xf32, #tpu.memory_space<vmem>> -> memref<384xf32, #tpu.memory_space<vmem>>
      %dma_wait3A_215 = tpu.memref_slice %arg3[%mul3A_166] : memref<196608xf32, #tpu.memory_space<hbm>> -> memref<384xf32, #tpu.memory_space<hbm>>
      tpu.wait_dma2 semaphore(%run_scoped3A : memref<!tpu.dma_semaphore, #tpu.memory_space<semaphore_mem>>) src(%dma_wait3A_215 : memref<384xf32, #tpu.memory_space<hbm>>) dst(%dma_wait3A_214 : memref<384xf32, #tpu.memory_space<vmem>>)
      tpu.yield
    }) : () -> ()
    %mul3A_167 = arith.constant 1824 : i32
    %mul3A_168 = arith.muli %add3A_160, %mul3A_167 : i32
    "tpu.region"() ({
      %run_scoped3A = tpu.sem_alloc : memref<!tpu.dma_semaphore, #tpu.memory_space<semaphore_mem>>
      %dma_start3A = arith.constant 55744 : i32
      %dma_start3A_206 = tpu.memref_slice %arg6[%dma_start3A] : memref<65792xf32, #tpu.memory_space<vmem>> -> memref<1824xf32, #tpu.memory_space<vmem>>
      %dma_start3A_207 = tpu.memref_slice %arg4[%mul3A_168] : memref<116736xf32, #tpu.memory_space<hbm>> -> memref<1824xf32, #tpu.memory_space<hbm>>
      %dma_start3A_208 = arith.constant 55744 : i32
      %dma_start3A_209 = tpu.memref_slice %arg6[%dma_start3A_208] : memref<65792xf32, #tpu.memory_space<vmem>> -> memref<1824xf32, #tpu.memory_space<vmem>>
      %dma_start3A_210 = tpu.memref_slice %arg4[%mul3A_168] : memref<116736xf32, #tpu.memory_space<hbm>> -> memref<1824xf32, #tpu.memory_space<hbm>>
      tpu.enqueue_dma source(%dma_start3A_210 : memref<1824xf32, #tpu.memory_space<hbm>>) target(%dma_start3A_209 : memref<1824xf32, #tpu.memory_space<vmem>>) target_semaphore(%run_scoped3A : memref<!tpu.dma_semaphore, #tpu.memory_space<semaphore_mem>>)
      %dma_wait3A = arith.constant 55744 : i32
      %dma_wait3A_211 = tpu.memref_slice %arg6[%dma_wait3A] : memref<65792xf32, #tpu.memory_space<vmem>> -> memref<1824xf32, #tpu.memory_space<vmem>>
      %dma_wait3A_212 = tpu.memref_slice %arg4[%mul3A_168] : memref<116736xf32, #tpu.memory_space<hbm>> -> memref<1824xf32, #tpu.memory_space<hbm>>
      %dma_wait3A_213 = arith.constant 55744 : i32
      %dma_wait3A_214 = tpu.memref_slice %arg6[%dma_wait3A_213] : memref<65792xf32, #tpu.memory_space<vmem>> -> memref<1824xf32, #tpu.memory_space<vmem>>
      %dma_wait3A_215 = tpu.memref_slice %arg4[%mul3A_168] : memref<116736xf32, #tpu.memory_space<hbm>> -> memref<1824xf32, #tpu.memory_space<hbm>>
      tpu.wait_dma2 semaphore(%run_scoped3A : memref<!tpu.dma_semaphore, #tpu.memory_space<semaphore_mem>>) src(%dma_wait3A_215 : memref<1824xf32, #tpu.memory_space<hbm>>) dst(%dma_wait3A_214 : memref<1824xf32, #tpu.memory_space<vmem>>)
      tpu.yield
    }) : () -> ()
    %mul3A_169 = arith.constant 2 : i32
    %mul3A_170 = arith.muli %add3A, %mul3A_169 : i32
    %add3A_171 = arith.constant 0 : i32
    %add3A_172 = arith.addi %mul3A_170, %add3A_171 : i32
    %mul3A_173 = arith.constant 1920 : i32
    %mul3A_174 = arith.muli %add3A_172, %mul3A_173 : i32
    "tpu.region"() ({
      %run_scoped3A = tpu.sem_alloc : memref<!tpu.dma_semaphore, #tpu.memory_space<semaphore_mem>>
      %dma_start3A = arith.constant 57568 : i32
      %dma_start3A_206 = tpu.memref_slice %arg6[%dma_start3A] : memref<65792xf32, #tpu.memory_space<vmem>> -> memref<1920xf32, #tpu.memory_space<vmem>>
      %dma_start3A_207 = tpu.memref_slice %arg2[%mul3A_174] : memref<122880xf32, #tpu.memory_space<hbm>> -> memref<1920xf32, #tpu.memory_space<hbm>>
      %dma_start3A_208 = arith.constant 57568 : i32
      %dma_start3A_209 = tpu.memref_slice %arg6[%dma_start3A_208] : memref<65792xf32, #tpu.memory_space<vmem>> -> memref<1920xf32, #tpu.memory_space<vmem>>
      %dma_start3A_210 = tpu.memref_slice %arg2[%mul3A_174] : memref<122880xf32, #tpu.memory_space<hbm>> -> memref<1920xf32, #tpu.memory_space<hbm>>
      tpu.enqueue_dma source(%dma_start3A_210 : memref<1920xf32, #tpu.memory_space<hbm>>) target(%dma_start3A_209 : memref<1920xf32, #tpu.memory_space<vmem>>) target_semaphore(%run_scoped3A : memref<!tpu.dma_semaphore, #tpu.memory_space<semaphore_mem>>)
      %dma_wait3A = arith.constant 57568 : i32
      %dma_wait3A_211 = tpu.memref_slice %arg6[%dma_wait3A] : memref<65792xf32, #tpu.memory_space<vmem>> -> memref<1920xf32, #tpu.memory_space<vmem>>
      %dma_wait3A_212 = tpu.memref_slice %arg2[%mul3A_174] : memref<122880xf32, #tpu.memory_space<hbm>> -> memref<1920xf32, #tpu.memory_space<hbm>>
      %dma_wait3A_213 = arith.constant 57568 : i32
      %dma_wait3A_214 = tpu.memref_slice %arg6[%dma_wait3A_213] : memref<65792xf32, #tpu.memory_space<vmem>> -> memref<1920xf32, #tpu.memory_space<vmem>>
      %dma_wait3A_215 = tpu.memref_slice %arg2[%mul3A_174] : memref<122880xf32, #tpu.memory_space<hbm>> -> memref<1920xf32, #tpu.memory_space<hbm>>
      tpu.wait_dma2 semaphore(%run_scoped3A : memref<!tpu.dma_semaphore, #tpu.memory_space<semaphore_mem>>) src(%dma_wait3A_215 : memref<1920xf32, #tpu.memory_space<hbm>>) dst(%dma_wait3A_214 : memref<1920xf32, #tpu.memory_space<vmem>>)
      tpu.yield
    }) : () -> ()
    %add3A_175 = arith.constant 448 : i32
    %add3A_176 = arith.addi %add3A_175, %add3A_172 : i32
    %mul3A_177 = arith.constant 384 : i32
    %mul3A_178 = arith.muli %add3A_176, %mul3A_177 : i32
    "tpu.region"() ({
      %run_scoped3A = tpu.sem_alloc : memref<!tpu.dma_semaphore, #tpu.memory_space<semaphore_mem>>
      %dma_start3A = arith.constant 59472 : i32
      %dma_start3A_206 = tpu.memref_slice %arg6[%dma_start3A] : memref<65792xf32, #tpu.memory_space<vmem>> -> memref<384xf32, #tpu.memory_space<vmem>>
      %dma_start3A_207 = tpu.memref_slice %arg3[%mul3A_178] : memref<196608xf32, #tpu.memory_space<hbm>> -> memref<384xf32, #tpu.memory_space<hbm>>
      %dma_start3A_208 = arith.constant 59472 : i32
      %dma_start3A_209 = tpu.memref_slice %arg6[%dma_start3A_208] : memref<65792xf32, #tpu.memory_space<vmem>> -> memref<384xf32, #tpu.memory_space<vmem>>
      %dma_start3A_210 = tpu.memref_slice %arg3[%mul3A_178] : memref<196608xf32, #tpu.memory_space<hbm>> -> memref<384xf32, #tpu.memory_space<hbm>>
      tpu.enqueue_dma source(%dma_start3A_210 : memref<384xf32, #tpu.memory_space<hbm>>) target(%dma_start3A_209 : memref<384xf32, #tpu.memory_space<vmem>>) target_semaphore(%run_scoped3A : memref<!tpu.dma_semaphore, #tpu.memory_space<semaphore_mem>>)
      %dma_wait3A = arith.constant 59472 : i32
      %dma_wait3A_211 = tpu.memref_slice %arg6[%dma_wait3A] : memref<65792xf32, #tpu.memory_space<vmem>> -> memref<384xf32, #tpu.memory_space<vmem>>
      %dma_wait3A_212 = tpu.memref_slice %arg3[%mul3A_178] : memref<196608xf32, #tpu.memory_space<hbm>> -> memref<384xf32, #tpu.memory_space<hbm>>
      %dma_wait3A_213 = arith.constant 59472 : i32
      %dma_wait3A_214 = tpu.memref_slice %arg6[%dma_wait3A_213] : memref<65792xf32, #tpu.memory_space<vmem>> -> memref<384xf32, #tpu.memory_space<vmem>>
      %dma_wait3A_215 = tpu.memref_slice %arg3[%mul3A_178] : memref<196608xf32, #tpu.memory_space<hbm>> -> memref<384xf32, #tpu.memory_space<hbm>>
      tpu.wait_dma2 semaphore(%run_scoped3A : memref<!tpu.dma_semaphore, #tpu.memory_space<semaphore_mem>>) src(%dma_wait3A_215 : memref<384xf32, #tpu.memory_space<hbm>>) dst(%dma_wait3A_214 : memref<384xf32, #tpu.memory_space<vmem>>)
      tpu.yield
    }) : () -> ()
    %mul3A_179 = arith.constant 1824 : i32
    %mul3A_180 = arith.muli %add3A_172, %mul3A_179 : i32
    "tpu.region"() ({
      %run_scoped3A = tpu.sem_alloc : memref<!tpu.dma_semaphore, #tpu.memory_space<semaphore_mem>>
      %dma_start3A = arith.constant 59856 : i32
      %dma_start3A_206 = tpu.memref_slice %arg6[%dma_start3A] : memref<65792xf32, #tpu.memory_space<vmem>> -> memref<1824xf32, #tpu.memory_space<vmem>>
      %dma_start3A_207 = tpu.memref_slice %arg4[%mul3A_180] : memref<116736xf32, #tpu.memory_space<hbm>> -> memref<1824xf32, #tpu.memory_space<hbm>>
      %dma_start3A_208 = arith.constant 59856 : i32
      %dma_start3A_209 = tpu.memref_slice %arg6[%dma_start3A_208] : memref<65792xf32, #tpu.memory_space<vmem>> -> memref<1824xf32, #tpu.memory_space<vmem>>
      %dma_start3A_210 = tpu.memref_slice %arg4[%mul3A_180] : memref<116736xf32, #tpu.memory_space<hbm>> -> memref<1824xf32, #tpu.memory_space<hbm>>
      tpu.enqueue_dma source(%dma_start3A_210 : memref<1824xf32, #tpu.memory_space<hbm>>) target(%dma_start3A_209 : memref<1824xf32, #tpu.memory_space<vmem>>) target_semaphore(%run_scoped3A : memref<!tpu.dma_semaphore, #tpu.memory_space<semaphore_mem>>)
      %dma_wait3A = arith.constant 59856 : i32
      %dma_wait3A_211 = tpu.memref_slice %arg6[%dma_wait3A] : memref<65792xf32, #tpu.memory_space<vmem>> -> memref<1824xf32, #tpu.memory_space<vmem>>
      %dma_wait3A_212 = tpu.memref_slice %arg4[%mul3A_180] : memref<116736xf32, #tpu.memory_space<hbm>> -> memref<1824xf32, #tpu.memory_space<hbm>>
      %dma_wait3A_213 = arith.constant 59856 : i32
      %dma_wait3A_214 = tpu.memref_slice %arg6[%dma_wait3A_213] : memref<65792xf32, #tpu.memory_space<vmem>> -> memref<1824xf32, #tpu.memory_space<vmem>>
      %dma_wait3A_215 = tpu.memref_slice %arg4[%mul3A_180] : memref<116736xf32, #tpu.memory_space<hbm>> -> memref<1824xf32, #tpu.memory_space<hbm>>
      tpu.wait_dma2 semaphore(%run_scoped3A : memref<!tpu.dma_semaphore, #tpu.memory_space<semaphore_mem>>) src(%dma_wait3A_215 : memref<1824xf32, #tpu.memory_space<hbm>>) dst(%dma_wait3A_214 : memref<1824xf32, #tpu.memory_space<vmem>>)
      tpu.yield
    }) : () -> ()
    %mul3A_181 = arith.constant 2 : i32
    %mul3A_182 = arith.muli %add3A, %mul3A_181 : i32
    %add3A_183 = arith.constant 1 : i32
    %add3A_184 = arith.addi %mul3A_182, %add3A_183 : i32
    %mul3A_185 = arith.constant 1920 : i32
    %mul3A_186 = arith.muli %add3A_184, %mul3A_185 : i32
    "tpu.region"() ({
      %run_scoped3A = tpu.sem_alloc : memref<!tpu.dma_semaphore, #tpu.memory_space<semaphore_mem>>
      %dma_start3A = arith.constant 61680 : i32
      %dma_start3A_206 = tpu.memref_slice %arg6[%dma_start3A] : memref<65792xf32, #tpu.memory_space<vmem>> -> memref<1920xf32, #tpu.memory_space<vmem>>
      %dma_start3A_207 = tpu.memref_slice %arg2[%mul3A_186] : memref<122880xf32, #tpu.memory_space<hbm>> -> memref<1920xf32, #tpu.memory_space<hbm>>
      %dma_start3A_208 = arith.constant 61680 : i32
      %dma_start3A_209 = tpu.memref_slice %arg6[%dma_start3A_208] : memref<65792xf32, #tpu.memory_space<vmem>> -> memref<1920xf32, #tpu.memory_space<vmem>>
      %dma_start3A_210 = tpu.memref_slice %arg2[%mul3A_186] : memref<122880xf32, #tpu.memory_space<hbm>> -> memref<1920xf32, #tpu.memory_space<hbm>>
      tpu.enqueue_dma source(%dma_start3A_210 : memref<1920xf32, #tpu.memory_space<hbm>>) target(%dma_start3A_209 : memref<1920xf32, #tpu.memory_space<vmem>>) target_semaphore(%run_scoped3A : memref<!tpu.dma_semaphore, #tpu.memory_space<semaphore_mem>>)
      %dma_wait3A = arith.constant 61680 : i32
      %dma_wait3A_211 = tpu.memref_slice %arg6[%dma_wait3A] : memref<65792xf32, #tpu.memory_space<vmem>> -> memref<1920xf32, #tpu.memory_space<vmem>>
      %dma_wait3A_212 = tpu.memref_slice %arg2[%mul3A_186] : memref<122880xf32, #tpu.memory_space<hbm>> -> memref<1920xf32, #tpu.memory_space<hbm>>
      %dma_wait3A_213 = arith.constant 61680 : i32
      %dma_wait3A_214 = tpu.memref_slice %arg6[%dma_wait3A_213] : memref<65792xf32, #tpu.memory_space<vmem>> -> memref<1920xf32, #tpu.memory_space<vmem>>
      %dma_wait3A_215 = tpu.memref_slice %arg2[%mul3A_186] : memref<122880xf32, #tpu.memory_space<hbm>> -> memref<1920xf32, #tpu.memory_space<hbm>>
      tpu.wait_dma2 semaphore(%run_scoped3A : memref<!tpu.dma_semaphore, #tpu.memory_space<semaphore_mem>>) src(%dma_wait3A_215 : memref<1920xf32, #tpu.memory_space<hbm>>) dst(%dma_wait3A_214 : memref<1920xf32, #tpu.memory_space<vmem>>)
      tpu.yield
    }) : () -> ()
    %add3A_187 = arith.constant 448 : i32
    %add3A_188 = arith.addi %add3A_187, %add3A_184 : i32
    %mul3A_189 = arith.constant 384 : i32
    %mul3A_190 = arith.muli %add3A_188, %mul3A_189 : i32
    "tpu.region"() ({
      %run_scoped3A = tpu.sem_alloc : memref<!tpu.dma_semaphore, #tpu.memory_space<semaphore_mem>>
      %dma_start3A = arith.constant 63584 : i32
      %dma_start3A_206 = tpu.memref_slice %arg6[%dma_start3A] : memref<65792xf32, #tpu.memory_space<vmem>> -> memref<384xf32, #tpu.memory_space<vmem>>
      %dma_start3A_207 = tpu.memref_slice %arg3[%mul3A_190] : memref<196608xf32, #tpu.memory_space<hbm>> -> memref<384xf32, #tpu.memory_space<hbm>>
      %dma_start3A_208 = arith.constant 63584 : i32
      %dma_start3A_209 = tpu.memref_slice %arg6[%dma_start3A_208] : memref<65792xf32, #tpu.memory_space<vmem>> -> memref<384xf32, #tpu.memory_space<vmem>>
      %dma_start3A_210 = tpu.memref_slice %arg3[%mul3A_190] : memref<196608xf32, #tpu.memory_space<hbm>> -> memref<384xf32, #tpu.memory_space<hbm>>
      tpu.enqueue_dma source(%dma_start3A_210 : memref<384xf32, #tpu.memory_space<hbm>>) target(%dma_start3A_209 : memref<384xf32, #tpu.memory_space<vmem>>) target_semaphore(%run_scoped3A : memref<!tpu.dma_semaphore, #tpu.memory_space<semaphore_mem>>)
      %dma_wait3A = arith.constant 63584 : i32
      %dma_wait3A_211 = tpu.memref_slice %arg6[%dma_wait3A] : memref<65792xf32, #tpu.memory_space<vmem>> -> memref<384xf32, #tpu.memory_space<vmem>>
      %dma_wait3A_212 = tpu.memref_slice %arg3[%mul3A_190] : memref<196608xf32, #tpu.memory_space<hbm>> -> memref<384xf32, #tpu.memory_space<hbm>>
      %dma_wait3A_213 = arith.constant 63584 : i32
      %dma_wait3A_214 = tpu.memref_slice %arg6[%dma_wait3A_213] : memref<65792xf32, #tpu.memory_space<vmem>> -> memref<384xf32, #tpu.memory_space<vmem>>
      %dma_wait3A_215 = tpu.memref_slice %arg3[%mul3A_190] : memref<196608xf32, #tpu.memory_space<hbm>> -> memref<384xf32, #tpu.memory_space<hbm>>
      tpu.wait_dma2 semaphore(%run_scoped3A : memref<!tpu.dma_semaphore, #tpu.memory_space<semaphore_mem>>) src(%dma_wait3A_215 : memref<384xf32, #tpu.memory_space<hbm>>) dst(%dma_wait3A_214 : memref<384xf32, #tpu.memory_space<vmem>>)
      tpu.yield
    }) : () -> ()
    %mul3A_191 = arith.constant 1824 : i32
    %mul3A_192 = arith.muli %add3A_184, %mul3A_191 : i32
    "tpu.region"() ({
      %run_scoped3A = tpu.sem_alloc : memref<!tpu.dma_semaphore, #tpu.memory_space<semaphore_mem>>
      %dma_start3A = arith.constant 63968 : i32
      %dma_start3A_206 = tpu.memref_slice %arg6[%dma_start3A] : memref<65792xf32, #tpu.memory_space<vmem>> -> memref<1824xf32, #tpu.memory_space<vmem>>
      %dma_start3A_207 = tpu.memref_slice %arg4[%mul3A_192] : memref<116736xf32, #tpu.memory_space<hbm>> -> memref<1824xf32, #tpu.memory_space<hbm>>
      %dma_start3A_208 = arith.constant 63968 : i32
      %dma_start3A_209 = tpu.memref_slice %arg6[%dma_start3A_208] : memref<65792xf32, #tpu.memory_space<vmem>> -> memref<1824xf32, #tpu.memory_space<vmem>>
      %dma_start3A_210 = tpu.memref_slice %arg4[%mul3A_192] : memref<116736xf32, #tpu.memory_space<hbm>> -> memref<1824xf32, #tpu.memory_space<hbm>>
      tpu.enqueue_dma source(%dma_start3A_210 : memref<1824xf32, #tpu.memory_space<hbm>>) target(%dma_start3A_209 : memref<1824xf32, #tpu.memory_space<vmem>>) target_semaphore(%run_scoped3A : memref<!tpu.dma_semaphore, #tpu.memory_space<semaphore_mem>>)
      %dma_wait3A = arith.constant 63968 : i32
      %dma_wait3A_211 = tpu.memref_slice %arg6[%dma_wait3A] : memref<65792xf32, #tpu.memory_space<vmem>> -> memref<1824xf32, #tpu.memory_space<vmem>>
      %dma_wait3A_212 = tpu.memref_slice %arg4[%mul3A_192] : memref<116736xf32, #tpu.memory_space<hbm>> -> memref<1824xf32, #tpu.memory_space<hbm>>
      %dma_wait3A_213 = arith.constant 63968 : i32
      %dma_wait3A_214 = tpu.memref_slice %arg6[%dma_wait3A_213] : memref<65792xf32, #tpu.memory_space<vmem>> -> memref<1824xf32, #tpu.memory_space<vmem>>
      %dma_wait3A_215 = tpu.memref_slice %arg4[%mul3A_192] : memref<116736xf32, #tpu.memory_space<hbm>> -> memref<1824xf32, #tpu.memory_space<hbm>>
      tpu.wait_dma2 semaphore(%run_scoped3A : memref<!tpu.dma_semaphore, #tpu.memory_space<semaphore_mem>>) src(%dma_wait3A_215 : memref<1824xf32, #tpu.memory_space<hbm>>) dst(%dma_wait3A_214 : memref<1824xf32, #tpu.memory_space<vmem>>)
      tpu.yield
    }) : () -> ()
    %scan3A = arith.constant 0 : i32
    %scan3A_193 = arith.constant 0 : i32
    %scan3A_194 = arith.constant 2048 : i32
    %scan3A_195 = arith.addi %scan3A_193, %scan3A_194 : i32
    %scan3A_196 = arith.constant 1 : i32
    %scan3A_197 = scf.for %scan3A_206 = %scan3A_193 to %scan3A_195 step %scan3A_196 iter_args(%scan3A_207 = %scan3A) -> (i32)  : i32 {
      %sub3A = arith.constant 2047 : i32
      %sub3A_208 = arith.subi %sub3A, %scan3A_206 : i32
      %and3A = arith.constant 7 : i32
      %and3A_209 = arith.andi %sub3A_208, %and3A : i32
      %sub3A_210 = arith.subi %sub3A_208, %and3A_209 : i32
      %multiple_of3A = tpu.assume_multiple %sub3A_210, 8 : i32
      %mul3A_211 = arith.constant 131072 : i32
      %mul3A_212 = arith.muli %scan3A_206, %mul3A_211 : i32
      %mul3A_213 = arith.constant 4096 : i32
      %mul3A_214 = arith.muli %add3A, %mul3A_213 : i32
      %add3A_215 = arith.addi %mul3A_212, %mul3A_214 : i32
      %mul3A_216 = arith.constant 2 : i32
      %mul3A_217 = arith.muli %and3A_209, %mul3A_216 : i32
      %add3A_218 = arith.constant 0 : i32
      %add3A_219 = arith.addi %mul3A_217, %add3A_218 : i32
      %mul3A_220 = arith.constant 4112 : i32
      %mul3A_221 = arith.muli %add3A_219, %mul3A_220 : i32
      %add3A_222 = arith.addi %mul3A_221, %multiple_of3A : i32
      %add3A_223 = arith.constant 0 : i32
      %add3A_224 = arith.addi %add3A_215, %add3A_223 : i32
      %dma_start3A = tpu.memref_slice %arg6[%add3A_222] : memref<65792xf32, #tpu.memory_space<vmem>> -> memref<2048xf32, #tpu.memory_space<vmem>>
      %dma_start3A_225 = tpu.memref_slice %arg5[%add3A_224] : memref<268435456xf32, #tpu.memory_space<hbm>> -> memref<2048xf32, #tpu.memory_space<hbm>>
      %dma_start3A_226 = tpu.memref_slice %arg5[%add3A_224] : memref<268435456xf32, #tpu.memory_space<hbm>> -> memref<2048xf32, #tpu.memory_space<hbm>>
      %dma_start3A_227 = tpu.memref_slice %arg6[%add3A_222] : memref<65792xf32, #tpu.memory_space<vmem>> -> memref<2048xf32, #tpu.memory_space<vmem>>
      tpu.enqueue_dma source(%dma_start3A_227 : memref<2048xf32, #tpu.memory_space<vmem>>) target(%dma_start3A_226 : memref<2048xf32, #tpu.memory_space<hbm>>) target_semaphore(%arg7 : memref<!tpu.dma_semaphore, #tpu.memory_space<semaphore_mem>>)
      %mul3A_228 = arith.constant 2 : i32
      %mul3A_229 = arith.muli %and3A_209, %mul3A_228 : i32
      %add3A_230 = arith.constant 1 : i32
      %add3A_231 = arith.addi %mul3A_229, %add3A_230 : i32
      %mul3A_232 = arith.constant 4112 : i32
      %mul3A_233 = arith.muli %add3A_231, %mul3A_232 : i32
      %add3A_234 = arith.addi %mul3A_233, %multiple_of3A : i32
      %add3A_235 = arith.constant 2048 : i32
      %add3A_236 = arith.addi %add3A_215, %add3A_235 : i32
      %dma_start3A_237 = tpu.memref_slice %arg6[%add3A_234] : memref<65792xf32, #tpu.memory_space<vmem>> -> memref<2048xf32, #tpu.memory_space<vmem>>
      %dma_start3A_238 = tpu.memref_slice %arg5[%add3A_236] : memref<268435456xf32, #tpu.memory_space<hbm>> -> memref<2048xf32, #tpu.memory_space<hbm>>
      %dma_start3A_239 = tpu.memref_slice %arg5[%add3A_236] : memref<268435456xf32, #tpu.memory_space<hbm>> -> memref<2048xf32, #tpu.memory_space<hbm>>
      %dma_start3A_240 = tpu.memref_slice %arg6[%add3A_234] : memref<65792xf32, #tpu.memory_space<vmem>> -> memref<2048xf32, #tpu.memory_space<vmem>>
      tpu.enqueue_dma source(%dma_start3A_240 : memref<2048xf32, #tpu.memory_space<vmem>>) target(%dma_start3A_239 : memref<2048xf32, #tpu.memory_space<hbm>>) target_semaphore(%arg7 : memref<!tpu.dma_semaphore, #tpu.memory_space<semaphore_mem>>)
      %scan3A_241 = arith.constant 0 : i32
      scf.yield %scan3A_241 : i32
    }
    %scan3A_198 = arith.constant 2048 : i32
    %scan3A_199 = arith.constant 0 : i32
    %scan3A_200 = arith.constant 0 : i32
    %scan3A_201 = arith.constant 256 : i32
    %scan3A_202 = arith.addi %scan3A_200, %scan3A_201 : i32
    %scan3A_203 = arith.constant 1 : i32
    %scan3A_204 = scf.for %scan3A_206 = %scan3A_200 to %scan3A_202 step %scan3A_203 iter_args(%scan3A_207 = %scan3A_199) -> (i32)  : i32 {
      %dma_wait3A = arith.constant 0 : i32
      %dma_wait3A_208 = tpu.memref_slice %arg6[%dma_wait3A] : memref<65792xf32, #tpu.memory_space<vmem>> -> memref<32768xf32, #tpu.memory_space<vmem>>
      %dma_wait3A_209 = arith.constant 0 : i32
      %dma_wait3A_210 = tpu.memref_slice %arg5[%dma_wait3A_209] : memref<268435456xf32, #tpu.memory_space<hbm>> -> memref<32768xf32, #tpu.memory_space<hbm>>
      %dma_wait3A_211 = arith.constant 0 : i32
      %dma_wait3A_212 = tpu.memref_slice %arg6[%dma_wait3A_211] : memref<65792xf32, #tpu.memory_space<vmem>> -> memref<32768xf32, #tpu.memory_space<vmem>>
      %dma_wait3A_213 = arith.constant 0 : i32
      %dma_wait3A_214 = tpu.memref_slice %arg5[%dma_wait3A_213] : memref<268435456xf32, #tpu.memory_space<hbm>> -> memref<32768xf32, #tpu.memory_space<hbm>>
      tpu.wait_dma2 semaphore(%arg7 : memref<!tpu.dma_semaphore, #tpu.memory_space<semaphore_mem>>) src(%dma_wait3A_214 : memref<32768xf32, #tpu.memory_space<hbm>>) dst(%dma_wait3A_212 : memref<32768xf32, #tpu.memory_space<vmem>>)
      %scan3A_215 = arith.constant 0 : i32
      scf.yield %scan3A_215 : i32
    }
    %scan3A_205 = arith.constant 256 : i32
    return
  }
}

</mosaic_0001>

<sc_bundles>
// kernel: kernel.3.cloned.1.call-start
scs
__scs_entry_jumppad:
0x0: {  	(pc) =	sbr.rel $0x88, $3  }
0x1: {  	(tag) =	ssettag $0x0;
	lr =	simm.s32 $0x1  }
0x2: {  	[smem:$0x3FA0] =	sst lr;
	_ =	strace $0xD0000000  }
0x3: {  	_ = 	snop  }
0x4: {  	_ = 	snop  }
0x5: {  	_ = 	snop  }
0x6: {  	_ = 	snop  }
0x7: {  	_ = 	snop  }
__scs_overlays_trampoline_lowered:
0x8: {  	[smem:$0x3FAF] =	sst s0  }
0x9: {  	[smem:$0x3FB0] =	sst s1  }
0xa: {  	[smem:$0x3FB1] =	sst s2  }
0xb: {  	[smem:$0x3FB2] =	sst s3  }
0xc: {  	[smem:$0x3FB3] =	sst s4  }
0xd: {  	[smem:$0x3FB4] =	sst s5  }
0xe: {  	[smem:$0x3FB5] =	sst s6  }
0xf: {  	[smem:$0x3FB6] =	sst s7  }
0x10: {  	[smem:$0x3FB7] =	sst s8  }
0x11: {  	[smem:$0x3FB8] =	sst s9;
	s0 =	simm.s32 @!p0 $0x0  }
0x12: {  	s1 =	sld [smem:$0x3F9E];
	s0 =	simm.s32 @p0 $0x1  }
0x13: {  	[smem:$0x3FB9] =	sst s0;
	s0 =	simm.s32 @!p1 $0x0  }
0x14: {  	s2 =	sld [smem:$0x3F9D];
	s0 =	simm.s32 @p1 $0x1  }
0x15: {  	[smem:$0x3FBA] =	sst s0;
	s0 =	simm.s32 @!p2 $0x0  }
0x16: {  	s3 =	sld [smem:$0x3FDB];
	s0 =	simm.s32 @p2 $0x1  }
0x17: {  	s4 =	simm.s32 $0x1BF5;
	[smem:$0x3FBC] =	sst s0  }
0x18: {  	s0 =	sld [smem:$0x3F9F];
	_ =	swait.ge [sflag:s4], $0x0  }
0x19: {  	s7 =	sld [smem:$0x3FA0]  }
0x1a: {  	s8 =	sadd.s32 $0xFFFFE003, lr  }
0x1b: {  	s9 =	sadd.s32 $0xFFFFFEF7, lr;
	s5 =	simm.s32 $0xFFFFFFFF;
	p2 =	slt.u32 s8, $0xFFFFF086  }
0x1c: {  	p1 =	slt.u32 s9, $0xF7A;
	s5 =	simm.s32 @!p2 $0x0  }
0x1d: {  	s5 =	simm.s32 @p1 $0x1;
	p0 =	seq.s32 s7, s2  }
0x1e: {  	s7 =	smul.u32 @!p0 $0xF7A, s2;
	p2 =	seq.s32 @!p0 s5, $0x0  }
0x1f: {  	s9 =	smul.u32 $0xF7A, s1;
	s8 =	simm.s32 @!p0 $0x1BF5;
	p2 =	por !p2, p0  }
0x20: {  	[sflag:s8] =	ssyncset.s32 @!p0 $0xFFFFF086;
	s6 =	sadd.s32 @!p0 s3, s7;
	s7 =	simm.s32 @!p0 $0x108  }
0x21: {  	s3 =	sadd.s32 s3, s9;
	s6 =	sadd.s32 @!p0 $0x88, s6;
	s7 =	simm.s32 @p2 $0x1082  }
0x22: {  	[simem:s7], [sflag:s8] =	dma.local @!p0 [hbm:s6], $0xF7A  }
0x23: {  	s9 =	sor.u32 $0xD0000000, s2;
	s6 =	simm.s32 $0x108;
	_ =	swait.ge @!p0 [sflag:s8], $0x0  }
0x24: {  	s3 =	sadd.s32 $0x88, s3;
	s6 =	simm.s32 @!p1 $0x1082;
	[sflag:s4] =	ssyncset.s32 $0xFFFFF086  }
0x25: {  	[simem:s6], [sflag:s4] =	dma.local [hbm:s3], $0xF7A  }
0x26: {  	[smem:$0x3FA0] =	sst s1;
	(tag) =	ssettag s2;
	_ =	strace s9  }
0x27: {  	s1 =	sld [smem:$0x3FB0]  }
0x28: {  	s2 =	sld [smem:$0x3FB1]  }
0x29: {  	s4 =	sld [smem:$0x3FB3]  }
0x2a: {  	p0 =	seq.s32 s5, $0x0;
	s5 =	sld [smem:$0x3FB4]  }
0x2b: {  	s6 =	sld [smem:$0x3FB5]  }
0x2c: {  	s7 =	sld [smem:$0x3FB6]  }
0x2d: {  	s3 =	simm.s32 $0x108;
	s8 =	sld [smem:$0x3FB7]  }
0x2e: {  	s3 =	simm.s32 @!p0 $0x1082;
	s9 =	sld [smem:$0x3FB8]  }
0x2f: {  	lr =	sadd.s32 s0, s3;
	s0 =	sld [smem:$0x3FAF]  }
0x30: {  	s3 =	sld [smem:$0x3FB2]  }
0x31: {  	[smem:$0x3FBB] =	sst s10  }
0x32: {  	s10 =	sld [smem:$0x3FB9];
	_ =	sdelay $0x3  }
0x33: {  	p0 =	seq.s32 s10, $0x1;
	s10 =	sld [smem:$0x3FBB];
	_ =	sdelay $0x3  }
0x34: {  	[smem:$0x3FBB] =	sst s10  }
0x35: {  	s10 =	sld [smem:$0x3FBA];
	_ =	sdelay $0x3  }
0x36: {  	p1 =	seq.s32 s10, $0x1;
	s10 =	sld [smem:$0x3FBB];
	_ =	sdelay $0x3  }
0x37: {  	[smem:$0x3FBB] =	sst s10  }
0x38: {  	s10 =	sld [smem:$0x3FBC]  }
0x39: {  	_ = 	snop;
	(pc) =	sbr.ind lr, $3  }
0x3a: {  	_ = 	snop  }
0x3b: {  	_ = 	snop  }
0x3c: {  	p2 =	seq.s32 s10, $0x1;
	s10 =	sld [smem:$0x3FBB]  }
0x3d: {  	_ =	shalt  }
0x3e: {  	_ =	shalt  }
0x3f: {  	_ =	shalt  }
0x40: {  	_ =	shalt  }
0x41: {  	_ =	shalt  }
0x42: {  	_ =	shalt  }
0x43: {  	_ =	shalt  }
0x44: {  	_ =	shalt  }
0x45: {  	_ =	shalt  }
0x46: {  	_ =	shalt  }
0x47: {  	_ =	shalt  }
0x48: {  	_ =	shalt  }
0x49: {  	_ =	shalt  }
0x4a: {  	_ =	shalt  }
0x4b: {  	_ =	shalt  }
0x4c: {  	_ =	shalt  }
0x4d: {  	_ =	shalt  }
0x4e: {  	_ =	shalt  }
0x4f: {  	_ =	shalt  }
0x50: {  	_ =	shalt  }
0x51: {  	_ =	shalt  }
0x52: {  	_ =	shalt  }
0x53: {  	_ =	shalt  }
0x54: {  	_ =	shalt  }
0x55: {  	_ =	shalt  }
0x56: {  	_ =	shalt  }
0x57: {  	_ =	shalt  }
0x58: {  	_ =	shalt  }
0x59: {  	_ =	shalt  }
0x5a: {  	_ =	shalt  }
0x5b: {  	_ =	shalt  }
0x5c: {  	_ =	shalt  }
0x5d: {  	_ =	shalt  }
0x5e: {  	_ =	shalt  }
0x5f: {  	_ =	shalt  }
0x60: {  	_ =	shalt  }
0x61: {  	_ =	shalt  }
0x62: {  	_ =	shalt  }
0x63: {  	_ =	shalt  }
0x64: {  	_ =	shalt  }
0x65: {  	_ =	shalt  }
0x66: {  	_ =	shalt  }
0x67: {  	_ =	shalt  }
0x68: {  	_ =	shalt  }
0x69: {  	_ =	shalt  }
0x6a: {  	_ =	shalt  }
0x6b: {  	_ =	shalt  }
0x6c: {  	_ =	shalt  }
0x6d: {  	_ =	shalt  }
0x6e: {  	_ =	shalt  }
0x6f: {  	_ =	shalt  }
0x70: {  	_ =	shalt  }
0x71: {  	_ =	shalt  }
0x72: {  	_ =	shalt  }
0x73: {  	_ =	shalt  }
0x74: {  	_ =	shalt  }
0x75: {  	_ =	shalt  }
0x76: {  	_ =	shalt  }
0x77: {  	_ =	shalt  }
0x78: {  	_ =	shalt  }
0x79: {  	_ =	shalt  }
0x7a: {  	_ =	shalt  }
0x7b: {  	_ =	shalt  }
0x7c: {  	_ =	shalt  }
0x7d: {  	_ =	shalt  }
0x7e: {  	_ =	shalt  }
0x7f: {  	_ =	shalt  }
0x80: {  	_ =	shalt  }
0x81: {  	_ =	shalt  }
0x82: {  	_ =	shalt  }
0x83: {  	_ =	shalt  }
0x84: {  	_ =	shalt  }
0x85: {  	_ =	shalt  }
0x86: {  	_ =	shalt  }
0x87: {  	_ =	shalt  }
.Lfunc_end0:
.L_simem_size_0:
called_computation_lowered:
.L_overlay_start_0:
0x88: {  	s2 =	sld [smem:$0x3FD9]  }
0x89: {  	s3 =	sld [smem:$0x3FFE];
	_ =	sdelay $0x1  }
0x8a: {  	s1 =	srdreg.scid  }
0x8b: {  	s0 =	sand.u32 $0x1, s1  }
0x8c: {  	s17 =	sshll.u32 s0, $0xA;
	s2 =	sadd.s32 s3, s2  }
0x8d: {  	s2 =	sadd.s32 s2, s17  }
0x8e: {  	[smem:$0x3FC7] =	sst s2  }
0x8f: {  	_ = 	snop  }
0x90: {  	s2 =	sld [smem:$0x3FD0];
	(tm) =	ssettm $0x1  }
0x91: {  	s18 =	sld [smem:$0x3FFB];
	_ =	sdelay $0x3  }
0x92: {  	_ =	strace s18  }
0x93: {  	s3 =	sld [smem:$0x3FFC];
	_ =	sdelay $0x3  }
0x94: {  	_ =	strace s3  }
0x95: {  	s3 =	sld [smem:$0x3FFD];
	_ =	sdelay $0x3  }
0x96: {  	_ =	strace s3  }
0x97: {  	_ =	strace $0x8FFFFFFF  }
0x98: {  	s19 =	sld [smem:$0x3FDB];
	_ =	sdelay $0x1  }
0x99: {  	s4 =	simm.s32 $_scs_section_size  }
0x9a: {  	s5 =	simm.s32 $_size__tile_overlayer_lowered;
	s6 =	simm.s32 $_tile_overlayer_lowered  }
0x9b: {  	s22 =	simm.s32 $0x1BFF;
	s21 =	sshll.u32 s6, $0x1;
	s3 =	sadd.s32 s4, s19  }
0x9c: {  	s7 =	simm.s32 $0x0;
	s20 =	sshll.u32 s5, $0x1;
	s5 =	sadd.s32 s21, s3  }
0x9d: {  	[timem:s7], [sflag:s22] =	dma.local [hbm:s5], s20  }
0x9e: {  	_ =	swait.ge [sflag:s22], s20  }
0x9f: {  	s4 =	ssub.s32 $0x0, s20;
	[sflag:s22] =	ssyncset.done $0x0  }
0xa0: {  	[sflag:s22] =	ssyncadd.s32 s4;
	_ =	sdelay $0x1  }
0xa1: {  	s23 =	simm.s32 $0x1B8B  }
0xa2: {  	_ =	swait.ge [sflag:s23], $0x1  }
0xa3: {  	[sflag:s23] =	ssyncset.done $0x0  }
0xa4: {  	s25 =	simm.s32 $0x1B8E;
	s24 =	sld [smem:$0x3FFE];
	[sflag:s23] =	ssyncadd.s32 $0xFFFFFFFF  }
0xa5: {  	s26 =	simm.s32 $execute0_lowered;
	[smem:$0x3FD2] =	sst s25  }
0xa6: {  	s5 =	sshll.u32 s26, $0x1;
	_ =	strace $0x80000046;
	[dreg:$0x1] =	wrdreg $0xFFFFFFFF  }
0xa7: {  	s28 =	simm.s32 $_size_execute0_lowered;
	s3 =	sadd.s32 s3, s5;
	[dreg:$0x0] =	wrdreg $0x0  }
0xa8: {  	s5 =	sshll.u32 s28, $0x1;
	[dreg:$0x2] =	wrdreg s3  }
0xa9: {  	[dreg:$0x3] =	wrdreg s5  }
0xaa: {  	[dreg:$0x4] =	wrdreg $0xC0  }
0xab: {  	_ =	task [dreg:s7], $0x5FFFF  }
0xac: {  	[dreg:$0x1] =	wrdreg $0xFFFFFFFF  }
0xad: {  	[dreg:$0x0] =	wrdreg $0x60  }
0xae: {  	[dreg:$0x2] =	wrdreg s24  }
0xaf: {  	[dreg:$0x3] =	wrdreg s2  }
0xb0: {  	[dreg:$0x4] =	wrdreg $0x9  }
0xb1: {  	_ =	task.clear_ibuf [dreg:s7], $0x5FFFF;
	_ =	strace $0x90000046  }
0xb2: {  	s29 =	simm.s32 $0x9;
	_ =	strace $0x80000048  }
0xb3: {  	_ =	swait.ge [sflag:s29], $0x1  }
0xb4: {  	[sflag:s29] =	ssyncadd.s32 $0xFFFFFFFF  }
0xb5: {  	_ =	strace $0x90000048  }
0xb6: {  	_ =	sfence  }
0xb7: {  	s30 =	sld [smem:$0x0];
	_ =	sdelay $0x2  }
0xb8: {  	s31 =	sshll.u32 s1, $0xD;
	s1 =	sshrl.u32 s1, $0x2  }
0xb9: {  	s3 =	sand.u32 $0x4000, s31;
	s1 =	sadd.s32 s1, s30  }
0xba: {  	s0 =	sor.u32 s3, s0;
	s1 =	sshll.u32 s1, $0x11  }
0xbb: {  	s0 =	sor.u32 s1, s0  }
0xbc: {  	s0 =	sadd.s32 $0x8F2B, s0  }
0xbd: {  	[sflag:s0] =	ssyncadd.remote.s32 $0x1  }
0xbe: {  	_ =	sfence.sel $0xFFFF  }
0xbf: {  	[dreg:$0x0] =	wrdreg $0xFFFFFFFF;
	(pc) =	sbr.abs _section_cstart, $3  }
0xc0: {  	[dreg:$0x1] =	wrdreg $0xFFFFFFFF  }
0xc1: {  	_ =	task.clear_ibuf [dreg:s7], $0x2FFFF;
	_ =	strace $0x9FFFFFFF  }
0xc2: {  	(tm) =	ssettm $0x7FFFFFFF  }
0xc3: {  	_ =	shalt  }
tec
execute0_lowered:
.L_overlay_start_1:
0x0: {  	(tag) =	ssettag $0x1  }
0x1: {  	s11 =	stileid.u32;
	s1 =	srdreg.scid  }
0x2: {  	s0 =	rddreg [dreg:$0x0];
	s1 =	sand.u32 $0x1, s1;
	s3 =	sshll.u32 s11, $0x1  }
0x3: {  	s8 =	rddreg [dreg:$0x1];
	s2 =	simm.s32 $0x0;
	s3 =	sor.u32 s1, s3  }
0x4: {  	[smem:$0x7FF] =	sst s2;
	s4 =	smul.u32 $0x1E0, s3  }
0x5: {  	s9 =	sadd.s32 $0x3C00, s0;
	s11 =	sshll.u32 s11, $0xA;
	s5 =	smul.u32 $0x60, s3  }
0x6: {  	_ =	strace $0x80000047;
	s6 =	ssub.s32 $0x2, s1;
	s7 =	smul.u32 $0x1C8, s3  }
0x7: {  	s24 =	sadd.s32 s11, s0;
	s10 =	sshllo.u32 s3, $0x1;
	s21 =	smul.u32 $0x300, s3  }
0x8: {  	s1 =	sshll.u32 s1, $0x9;
	s12 =	sshrl.u32 s6, $0x1;
	s13 =	smul.u32 $0xF0, s10  }
0x9: {  	s31 =	sadd.s32 s1, s24;
	s1 =	simm.s32 $0x1;
	s25 =	smul.u32 $0x30, s10  }
0xa: {  	s23 =	ssub.s32 s6, s12;
	s10 =	smul.u32 $0xE4, s10;
	s28 =	sadd.s32 $0x7600, s31  }
0xb: {  	s3 =	sadd.s32 s0, s4;
	s22 =	sadd.s32 s8, s5;
	s5 =	sadd.s32 s9, s7  }
0xc: {  	s26 =	sshrl.u32 s21, $0x3;
	s23 =	smax.u32 s23, $0x1;
	[dreg:$0x3] =	wrdreg s22  }
0xd: {  	s6 =	sadd.s32 s0, s13;
	s29 =	sadd.s32 s8, s25;
	s30 =	sadd.s32 s8, s26  }
0xe: {  	s8 =	sadd.s32 s9, s10;
	s25 =	simm.s32 $0x2;
	s0 =	simm.s32 $0x0  }
0xf: {  	[dreg:$0x4] =	wrdreg s29;
	s9 =	sadd.s32 $0xC00, s30;
	s10 =	sadd.s32 $0xC30, s30  }
0x10: {  	s11 =	sadd.s32 $0x1800, s30;
	s12 =	sadd.s32 $0x1830, s30;
	s13 =	sadd.s32 $0x2400, s30  }
0x11: {  	s14 =	sadd.s32 $0x2430, s30;
	s15 =	sadd.s32 $0x3000, s30;
	s16 =	sadd.s32 $0x3030, s30  }
0x12: {  	s17 =	sadd.s32 $0x3C00, s30;
	s18 =	sadd.s32 $0x3C30, s30;
	s19 =	sadd.s32 $0x4800, s30  }
0x13: {  	s20 =	sadd.s32 $0x4830, s30;
	s21 =	sadd.s32 $0x5400, s30;
	s22 =	sadd.s32 $0x5430, s30  }
.LBB2_1:
0x14: {  	[tilespmem:s2], [sflag:$0x2] =	stream.linear.gather [hbm4b:s3+s2], $0x780, $0x38;
	[tilespmem:$0x10100] =	vst v63  }
0x15: {  	_ =	swait.ge [sflag:s25], $0x780  }
0x16: {  	[sflag:s25] =	ssyncset.done $0x0  }
0x17: {  	s7 =	simm.s32 $0x770;
	s4 =	rddreg [dreg:$0x3];
	[sflag:s25] =	ssyncadd.s32 $0xFFFFF880  }
0x18: {  	[tilespmem:s7], [sflag:$0x2] =	stream.linear.gather [hbm4b:s4+s2], $0x180, $0x38;
	[tilespmem:$0x10100] =	vst v63  }
0x19: {  	_ =	swait.ge [sflag:s25], $0x180  }
0x1a: {  	[sflag:s25] =	ssyncset.done $0x0  }
0x1b: {  	s7 =	simm.s32 $0x8F0;
	[sflag:s25] =	ssyncadd.s32 $0xFFFFFE80  }
0x1c: {  	[tilespmem:s7], [sflag:$0x2] =	stream.linear.gather [hbm4b:s5+s2], $0x720, $0x38;
	[tilespmem:$0x10100] =	vst v63  }
0x1d: {  	_ =	swait.ge [sflag:s25], $0x720  }
0x1e: {  	[sflag:s25] =	ssyncset.done $0x0  }
0x1f: {  	s24 =	simm.s32 $0x1010;
	[sflag:s25] =	ssyncadd.s32 $0xFFFFF8E0  }
0x20: {  	[tilespmem:s24], [sflag:$0x2] =	stream.linear.gather [hbm4b:s6+s2], $0x780, $0x38;
	[tilespmem:$0x10100] =	vst v63  }
0x21: {  	_ =	swait.ge [sflag:s25], $0x780  }
0x22: {  	[sflag:s25] =	ssyncset.done $0x0  }
0x23: {  	s31 =	simm.s32 $0x1780;
	s26 =	rddreg [dreg:$0x4];
	[sflag:s25] =	ssyncadd.s32 $0xFFFFF880  }
0x24: {  	[tilespmem:s31], [sflag:$0x2] =	stream.linear.gather [hbm4b:s26+s2], $0x180, $0x38;
	[tilespmem:$0x10100] =	vst v63  }
0x25: {  	_ =	swait.ge [sflag:s25], $0x180  }
0x26: {  	[sflag:s25] =	ssyncset.done $0x0  }
0x27: {  	s24 =	simm.s32 $0x1900;
	[sflag:s25] =	ssyncadd.s32 $0xFFFFFE80  }
0x28: {  	[tilespmem:s24], [sflag:$0x2] =	stream.linear.gather [hbm4b:s8+s2], $0x720, $0x38;
	[tilespmem:$0x10100] =	vst v63  }
0x29: {  	_ =	swait.ge [sflag:s25], $0x720  }
0x2a: {  	[sflag:s25] =	ssyncset.done $0x0  }
0x2b: {  	s26 =	simm.s32 $0x2020;
	[sflag:s25] =	ssyncadd.s32 $0xFFFFF8E0  }
0x2c: {  	[tilespmem:s26], [sflag:$0x2] =	stream.linear.gather [hbm4b:s3+s2], $0x780, $0x38;
	[tilespmem:$0x10100] =	vst v63  }
0x2d: {  	_ =	swait.ge [sflag:s25], $0x780  }
0x2e: {  	[sflag:s25] =	ssyncset.done $0x0  }
0x2f: {  	s31 =	simm.s32 $0x2790;
	[sflag:s25] =	ssyncadd.s32 $0xFFFFF880  }
0x30: {  	[tilespmem:s31], [sflag:$0x2] =	stream.linear.gather [hbm4b:s9+s2], $0x180, $0x38;
	[tilespmem:$0x10100] =	vst v63  }
0x31: {  	_ =	swait.ge [sflag:s25], $0x180  }
0x32: {  	[sflag:s25] =	ssyncset.done $0x0  }
0x33: {  	s7 =	simm.s32 $0x2910;
	[sflag:s25] =	ssyncadd.s32 $0xFFFFFE80  }
0x34: {  	[tilespmem:s7], [sflag:$0x2] =	stream.linear.gather [hbm4b:s5+s2], $0x720, $0x38;
	[tilespmem:$0x10100] =	vst v63  }
0x35: {  	_ =	swait.ge [sflag:s25], $0x720  }
0x36: {  	[sflag:s25] =	ssyncset.done $0x0  }
0x37: {  	s24 =	simm.s32 $0x3030;
	[sflag:s25] =	ssyncadd.s32 $0xFFFFF8E0  }
0x38: {  	[tilespmem:s24], [sflag:$0x2] =	stream.linear.gather [hbm4b:s6+s2], $0x780, $0x38;
	[tilespmem:$0x10100] =	vst v63  }
0x39: {  	_ =	swait.ge [sflag:s25], $0x780  }
0x3a: {  	[sflag:s25] =	ssyncset.done $0x0  }
0x3b: {  	s26 =	simm.s32 $0x37A0;
	[sflag:s25] =	ssyncadd.s32 $0xFFFFF880  }
0x3c: {  	[tilespmem:s26], [sflag:$0x2] =	stream.linear.gather [hbm4b:s10+s2], $0x180, $0x38;
	[tilespmem:$0x10100] =	vst v63  }
0x3d: {  	_ =	swait.ge [sflag:s25], $0x180  }
0x3e: {  	[sflag:s25] =	ssyncset.done $0x0  }
0x3f: {  	s31 =	simm.s32 $0x3920;
	[sflag:s25] =	ssyncadd.s32 $0xFFFFFE80  }
0x40: {  	[tilespmem:s31], [sflag:$0x2] =	stream.linear.gather [hbm4b:s8+s2], $0x720, $0x38;
	[tilespmem:$0x10100] =	vst v63  }
0x41: {  	_ =	swait.ge [sflag:s25], $0x720  }
0x42: {  	[sflag:s25] =	ssyncset.done $0x0  }
0x43: {  	s7 =	simm.s32 $0x4040;
	[sflag:s25] =	ssyncadd.s32 $0xFFFFF8E0  }
0x44: {  	[tilespmem:s7], [sflag:$0x2] =	stream.linear.gather [hbm4b:s3+s2], $0x780, $0x38;
	[tilespmem:$0x10100] =	vst v63  }
0x45: {  	_ =	swait.ge [sflag:s25], $0x780  }
0x46: {  	[sflag:s25] =	ssyncset.done $0x0  }
0x47: {  	s24 =	simm.s32 $0x47B0;
	[sflag:s25] =	ssyncadd.s32 $0xFFFFF880  }
0x48: {  	[tilespmem:s24], [sflag:$0x2] =	stream.linear.gather [hbm4b:s11+s2], $0x180, $0x38;
	[tilespmem:$0x10100] =	vst v63  }
0x49: {  	_ =	swait.ge [sflag:s25], $0x180  }
0x4a: {  	[sflag:s25] =	ssyncset.done $0x0  }
0x4b: {  	s26 =	simm.s32 $0x4930;
	[sflag:s25] =	ssyncadd.s32 $0xFFFFFE80  }
0x4c: {  	[tilespmem:s26], [sflag:$0x2] =	stream.linear.gather [hbm4b:s5+s2], $0x720, $0x38;
	[tilespmem:$0x10100] =	vst v63  }
0x4d: {  	_ =	swait.ge [sflag:s25], $0x720  }
0x4e: {  	[sflag:s25] =	ssyncset.done $0x0  }
0x4f: {  	s31 =	simm.s32 $0x5050;
	[sflag:s25] =	ssyncadd.s32 $0xFFFFF8E0  }
0x50: {  	[tilespmem:s31], [sflag:$0x2] =	stream.linear.gather [hbm4b:s6+s2], $0x780, $0x38;
	[tilespmem:$0x10100] =	vst v63  }
0x51: {  	_ =	swait.ge [sflag:s25], $0x780  }
0x52: {  	[sflag:s25] =	ssyncset.done $0x0  }
0x53: {  	s7 =	simm.s32 $0x57C0;
	[sflag:s25] =	ssyncadd.s32 $0xFFFFF880  }
0x54: {  	[tilespmem:s7], [sflag:$0x2] =	stream.linear.gather [hbm4b:s12+s2], $0x180, $0x38;
	[tilespmem:$0x10100] =	vst v63  }
0x55: {  	_ =	swait.ge [sflag:s25], $0x180  }
0x56: {  	[sflag:s25] =	ssyncset.done $0x0  }
0x57: {  	s24 =	simm.s32 $0x5940;
	[sflag:s25] =	ssyncadd.s32 $0xFFFFFE80  }
0x58: {  	[tilespmem:s24], [sflag:$0x2] =	stream.linear.gather [hbm4b:s8+s2], $0x720, $0x38;
	[tilespmem:$0x10100] =	vst v63  }
0x59: {  	_ =	swait.ge [sflag:s25], $0x720  }
0x5a: {  	[sflag:s25] =	ssyncset.done $0x0  }
0x5b: {  	s26 =	simm.s32 $0x6060;
	[sflag:s25] =	ssyncadd.s32 $0xFFFFF8E0  }
0x5c: {  	[tilespmem:s26], [sflag:$0x2] =	stream.linear.gather [hbm4b:s3+s2], $0x780, $0x38;
	[tilespmem:$0x10100] =	vst v63  }
0x5d: {  	_ =	swait.ge [sflag:s25], $0x780  }
0x5e: {  	[sflag:s25] =	ssyncset.done $0x0  }
0x5f: {  	s31 =	simm.s32 $0x67D0;
	[sflag:s25] =	ssyncadd.s32 $0xFFFFF880  }
0x60: {  	[tilespmem:s31], [sflag:$0x2] =	stream.linear.gather [hbm4b:s13+s2], $0x180, $0x38;
	[tilespmem:$0x10100] =	vst v63  }
0x61: {  	_ =	swait.ge [sflag:s25], $0x180  }
0x62: {  	[sflag:s25] =	ssyncset.done $0x0  }
0x63: {  	s7 =	simm.s32 $0x6950;
	[sflag:s25] =	ssyncadd.s32 $0xFFFFFE80  }
0x64: {  	[tilespmem:s7], [sflag:$0x2] =	stream.linear.gather [hbm4b:s5+s2], $0x720, $0x38;
	[tilespmem:$0x10100] =	vst v63  }
0x65: {  	_ =	swait.ge [sflag:s25], $0x720  }
0x66: {  	[sflag:s25] =	ssyncset.done $0x0  }
0x67: {  	s24 =	simm.s32 $0x7070;
	[sflag:s25] =	ssyncadd.s32 $0xFFFFF8E0  }
0x68: {  	[tilespmem:s24], [sflag:$0x2] =	stream.linear.gather [hbm4b:s6+s2], $0x780, $0x38;
	[tilespmem:$0x10100] =	vst v63  }
0x69: {  	_ =	swait.ge [sflag:s25], $0x780  }
0x6a: {  	[sflag:s25] =	ssyncset.done $0x0  }
0x6b: {  	s26 =	simm.s32 $0x77E0;
	[sflag:s25] =	ssyncadd.s32 $0xFFFFF880  }
0x6c: {  	[tilespmem:s26], [sflag:$0x2] =	stream.linear.gather [hbm4b:s14+s2], $0x180, $0x38;
	[tilespmem:$0x10100] =	vst v63  }
0x6d: {  	_ =	swait.ge [sflag:s25], $0x180  }
0x6e: {  	[sflag:s25] =	ssyncset.done $0x0  }
0x6f: {  	s31 =	simm.s32 $0x7960;
	[sflag:s25] =	ssyncadd.s32 $0xFFFFFE80  }
0x70: {  	[tilespmem:s31], [sflag:$0x2] =	stream.linear.gather [hbm4b:s8+s2], $0x720, $0x38;
	[tilespmem:$0x10100] =	vst v63  }
0x71: {  	_ =	swait.ge [sflag:s25], $0x720  }
0x72: {  	[sflag:s25] =	ssyncset.done $0x0  }
0x73: {  	s7 =	simm.s32 $0x8080;
	[sflag:s25] =	ssyncadd.s32 $0xFFFFF8E0  }
0x74: {  	[tilespmem:s7], [sflag:$0x2] =	stream.linear.gather [hbm4b:s3+s2], $0x780, $0x38;
	[tilespmem:$0x10100] =	vst v63  }
0x75: {  	_ =	swait.ge [sflag:s25], $0x780  }
0x76: {  	[sflag:s25] =	ssyncset.done $0x0  }
0x77: {  	s24 =	simm.s32 $0x87F0;
	[sflag:s25] =	ssyncadd.s32 $0xFFFFF880  }
0x78: {  	[tilespmem:s24], [sflag:$0x2] =	stream.linear.gather [hbm4b:s15+s2], $0x180, $0x38;
	[tilespmem:$0x10100] =	vst v63  }
0x79: {  	_ =	swait.ge [sflag:s25], $0x180  }
0x7a: {  	[sflag:s25] =	ssyncset.done $0x0  }
0x7b: {  	s26 =	simm.s32 $0x8970;
	[sflag:s25] =	ssyncadd.s32 $0xFFFFFE80  }
0x7c: {  	[tilespmem:s26], [sflag:$0x2] =	stream.linear.gather [hbm4b:s5+s2], $0x720, $0x38;
	[tilespmem:$0x10100] =	vst v63  }
0x7d: {  	_ =	swait.ge [sflag:s25], $0x720  }
0x7e: {  	[sflag:s25] =	ssyncset.done $0x0  }
0x7f: {  	s31 =	simm.s32 $0x9090;
	[sflag:s25] =	ssyncadd.s32 $0xFFFFF8E0  }
0x80: {  	[tilespmem:s31], [sflag:$0x2] =	stream.linear.gather [hbm4b:s6+s2], $0x780, $0x38;
	[tilespmem:$0x10100] =	vst v63  }
0x81: {  	_ =	swait.ge [sflag:s25], $0x780  }
0x82: {  	[sflag:s25] =	ssyncset.done $0x0  }
0x83: {  	s7 =	simm.s32 $0x9800;
	[sflag:s25] =	ssyncadd.s32 $0xFFFFF880  }
0x84: {  	[tilespmem:s7], [sflag:$0x2] =	stream.linear.gather [hbm4b:s16+s2], $0x180, $0x38;
	[tilespmem:$0x10100] =	vst v63  }
0x85: {  	_ =	swait.ge [sflag:s25], $0x180  }
0x86: {  	[sflag:s25] =	ssyncset.done $0x0  }
0x87: {  	s24 =	simm.s32 $0x9980;
	[sflag:s25] =	ssyncadd.s32 $0xFFFFFE80  }
0x88: {  	[tilespmem:s24], [sflag:$0x2] =	stream.linear.gather [hbm4b:s8+s2], $0x720, $0x38;
	[tilespmem:$0x10100] =	vst v63  }
0x89: {  	_ =	swait.ge [sflag:s25], $0x720  }
0x8a: {  	[sflag:s25] =	ssyncset.done $0x0  }
0x8b: {  	s26 =	simm.s32 $0xA0A0;
	[sflag:s25] =	ssyncadd.s32 $0xFFFFF8E0  }
0x8c: {  	[tilespmem:s26], [sflag:$0x2] =	stream.linear.gather [hbm4b:s3+s2], $0x780, $0x38;
	[tilespmem:$0x10100] =	vst v63  }
0x8d: {  	_ =	swait.ge [sflag:s25], $0x780  }
0x8e: {  	[sflag:s25] =	ssyncset.done $0x0  }
0x8f: {  	s31 =	simm.s32 $0xA810;
	[sflag:s25] =	ssyncadd.s32 $0xFFFFF880  }
0x90: {  	[tilespmem:s31], [sflag:$0x2] =	stream.linear.gather [hbm4b:s17+s2], $0x180, $0x38;
	[tilespmem:$0x10100] =	vst v63  }
0x91: {  	_ =	swait.ge [sflag:s25], $0x180  }
0x92: {  	[sflag:s25] =	ssyncset.done $0x0  }
0x93: {  	s7 =	simm.s32 $0xA990;
	[sflag:s25] =	ssyncadd.s32 $0xFFFFFE80  }
0x94: {  	[tilespmem:s7], [sflag:$0x2] =	stream.linear.gather [hbm4b:s5+s2], $0x720, $0x38;
	[tilespmem:$0x10100] =	vst v63  }
0x95: {  	_ =	swait.ge [sflag:s25], $0x720  }
0x96: {  	[sflag:s25] =	ssyncset.done $0x0  }
0x97: {  	s24 =	simm.s32 $0xB0B0;
	[sflag:s25] =	ssyncadd.s32 $0xFFFFF8E0  }
0x98: {  	[tilespmem:s24], [sflag:$0x2] =	stream.linear.gather [hbm4b:s6+s2], $0x780, $0x38;
	[tilespmem:$0x10100] =	vst v63  }
0x99: {  	_ =	swait.ge [sflag:s25], $0x780  }
0x9a: {  	[sflag:s25] =	ssyncset.done $0x0  }
0x9b: {  	s26 =	simm.s32 $0xB820;
	[sflag:s25] =	ssyncadd.s32 $0xFFFFF880  }
0x9c: {  	[tilespmem:s26], [sflag:$0x2] =	stream.linear.gather [hbm4b:s18+s2], $0x180, $0x38;
	[tilespmem:$0x10100] =	vst v63  }
0x9d: {  	_ =	swait.ge [sflag:s25], $0x180  }
0x9e: {  	[sflag:s25] =	ssyncset.done $0x0  }
0x9f: {  	s31 =	simm.s32 $0xB9A0;
	[sflag:s25] =	ssyncadd.s32 $0xFFFFFE80  }
0xa0: {  	[tilespmem:s31], [sflag:$0x2] =	stream.linear.gather [hbm4b:s8+s2], $0x720, $0x38;
	[tilespmem:$0x10100] =	vst v63  }
0xa1: {  	_ =	swait.ge [sflag:s25], $0x720  }
0xa2: {  	[sflag:s25] =	ssyncset.done $0x0  }
0xa3: {  	s7 =	simm.s32 $0xC0C0;
	[sflag:s25] =	ssyncadd.s32 $0xFFFFF8E0  }
0xa4: {  	[tilespmem:s7], [sflag:$0x2] =	stream.linear.gather [hbm4b:s3+s2], $0x780, $0x38;
	[tilespmem:$0x10100] =	vst v63  }
0xa5: {  	_ =	swait.ge [sflag:s25], $0x780  }
0xa6: {  	[sflag:s25] =	ssyncset.done $0x0  }
0xa7: {  	s24 =	simm.s32 $0xC830;
	[sflag:s25] =	ssyncadd.s32 $0xFFFFF880  }
0xa8: {  	[tilespmem:s24], [sflag:$0x2] =	stream.linear.gather [hbm4b:s19+s2], $0x180, $0x38;
	[tilespmem:$0x10100] =	vst v63  }
0xa9: {  	_ =	swait.ge [sflag:s25], $0x180  }
0xaa: {  	[sflag:s25] =	ssyncset.done $0x0  }
0xab: {  	s26 =	simm.s32 $0xC9B0;
	[sflag:s25] =	ssyncadd.s32 $0xFFFFFE80  }
0xac: {  	[tilespmem:s26], [sflag:$0x2] =	stream.linear.gather [hbm4b:s5+s2], $0x720, $0x38;
	[tilespmem:$0x10100] =	vst v63  }
0xad: {  	_ =	swait.ge [sflag:s25], $0x720  }
0xae: {  	[sflag:s25] =	ssyncset.done $0x0  }
0xaf: {  	s31 =	simm.s32 $0xD0D0;
	[sflag:s25] =	ssyncadd.s32 $0xFFFFF8E0  }
0xb0: {  	[tilespmem:s31], [sflag:$0x2] =	stream.linear.gather [hbm4b:s6+s2], $0x780, $0x38;
	[tilespmem:$0x10100] =	vst v63  }
0xb1: {  	_ =	swait.ge [sflag:s25], $0x780  }
0xb2: {  	[sflag:s25] =	ssyncset.done $0x0  }
0xb3: {  	s7 =	simm.s32 $0xD840;
	[sflag:s25] =	ssyncadd.s32 $0xFFFFF880  }
0xb4: {  	[tilespmem:s7], [sflag:$0x2] =	stream.linear.gather [hbm4b:s20+s2], $0x180, $0x38;
	[tilespmem:$0x10100] =	vst v63  }
0xb5: {  	_ =	swait.ge [sflag:s25], $0x180  }
0xb6: {  	[sflag:s25] =	ssyncset.done $0x0  }
0xb7: {  	s24 =	simm.s32 $0xD9C0;
	[sflag:s25] =	ssyncadd.s32 $0xFFFFFE80  }
0xb8: {  	[tilespmem:s24], [sflag:$0x2] =	stream.linear.gather [hbm4b:s8+s2], $0x720, $0x38;
	[tilespmem:$0x10100] =	vst v63  }
0xb9: {  	_ =	swait.ge [sflag:s25], $0x720  }
0xba: {  	[sflag:s25] =	ssyncset.done $0x0  }
0xbb: {  	s26 =	simm.s32 $0xE0E0;
	[sflag:s25] =	ssyncadd.s32 $0xFFFFF8E0  }
0xbc: {  	[tilespmem:s26], [sflag:$0x2] =	stream.linear.gather [hbm4b:s3+s2], $0x780, $0x38;
	[tilespmem:$0x10100] =	vst v63  }
0xbd: {  	_ =	swait.ge [sflag:s25], $0x780  }
0xbe: {  	[sflag:s25] =	ssyncset.done $0x0  }
0xbf: {  	s31 =	simm.s32 $0xE850;
	[sflag:s25] =	ssyncadd.s32 $0xFFFFF880  }
0xc0: {  	[tilespmem:s31], [sflag:$0x2] =	stream.linear.gather [hbm4b:s21+s2], $0x180, $0x38;
	[tilespmem:$0x10100] =	vst v63  }
0xc1: {  	_ =	swait.ge [sflag:s25], $0x180  }
0xc2: {  	[sflag:s25] =	ssyncset.done $0x0  }
0xc3: {  	s7 =	simm.s32 $0xE9D0;
	[sflag:s25] =	ssyncadd.s32 $0xFFFFFE80  }
0xc4: {  	[tilespmem:s7], [sflag:$0x2] =	stream.linear.gather [hbm4b:s5+s2], $0x720, $0x38;
	[tilespmem:$0x10100] =	vst v63  }
0xc5: {  	_ =	swait.ge [sflag:s25], $0x720  }
0xc6: {  	[sflag:s25] =	ssyncset.done $0x0  }
0xc7: {  	s24 =	simm.s32 $0xF0F0;
	[sflag:s25] =	ssyncadd.s32 $0xFFFFF8E0  }
0xc8: {  	[tilespmem:s24], [sflag:$0x2] =	stream.linear.gather [hbm4b:s6+s2], $0x780, $0x38;
	[tilespmem:$0x10100] =	vst v63  }
0xc9: {  	_ =	swait.ge [sflag:s25], $0x780  }
0xca: {  	[sflag:s25] =	ssyncset.done $0x0  }
0xcb: {  	s26 =	simm.s32 $0xF860;
	[sflag:s25] =	ssyncadd.s32 $0xFFFFF880  }
0xcc: {  	[tilespmem:s26], [sflag:$0x2] =	stream.linear.gather [hbm4b:s22+s2], $0x180, $0x38;
	[tilespmem:$0x10100] =	vst v63  }
0xcd: {  	_ =	swait.ge [sflag:s25], $0x180  }
0xce: {  	[sflag:s25] =	ssyncset.done $0x0  }
0xcf: {  	s31 =	simm.s32 $0xF9E0;
	s26 =	simm.s32 $0x7FF;
	[sflag:s25] =	ssyncadd.s32 $0xFFFFFE80  }
0xd0: {  	[tilespmem:s31], [sflag:$0x2] =	stream.linear.gather [hbm4b:s8+s2], $0x720, $0x38;
	[tilespmem:$0x10100] =	vst v63  }
0xd1: {  	s24 =	sand.u32 $0x7, s26;
	_ =	swait.ge [sflag:s25], $0x720  }
0xd2: {  	s29 =	smul.u32 $0x8080, s24;
	[sflag:s25] =	ssyncset.done $0x0  }
0xd3: {  	s30 =	simm.s32 $0x7FE;
	s24 =	smov.u32 s28;
	[sflag:s25] =	ssyncadd.s32 $0xFFFFF8E0  }
.LBB2_2:
0xd4: {  	s31 =	sand.u32 $0x7, s30;
	s4 =	sand.u32 $0x7F8, s26;
	s7 =	sshrl.u32 s29, $0x2  }
0xd5: {  	s26 =	smov.u32 s30;
	p0 =	sne.s32 s30, $0x0;
	s29 =	smul.u32 $0x8080, s31  }
.Ltmp0:
0xd6: {  	s4 =	sadd.s32 s4, s7;
	s7 =	sadd.s32 $0x100, s24;
	(pc) =	sbr.rel @p0 .LBB2_2-.Ltmp0, $4  }
0xd7: {  	[hbm4b:s24+s2] =	stream.linear.scatter [tilespmem:s4], [sflag:$0x1], $0x800, $0x38;
	[tilespmem:$0x10100] =	vst v63  }
0xd8: {  	s30 =	sadd.s32 $0xFFFFFFFF, s30;
	s4 =	sadd.s32 $0x1010, s4  }
0xd9: {  	[hbm4b:s7+s2] =	stream.linear.scatter [tilespmem:s4], [sflag:$0x1], $0x800, $0x38;
	[tilespmem:$0x10100] =	vst v63  }
0xda: {  	s24 =	sadd.s32 $0x4000, s24  }
0xdb: {  	s4 =	sand.u32 $0x7F8, s26;
	s7 =	sshrl.u32 s29, $0x2  }
0xdc: {  	s4 =	sadd.s32 s4, s7  }
0xdd: {  	[hbm4b:s24+s2] =	stream.linear.scatter [tilespmem:s4], [sflag:$0x1], $0x800, $0x38;
	[tilespmem:$0x10100] =	vst v63  }
0xde: {  	s31 =	sadd.s32 $0x100, s24;
	s4 =	sadd.s32 $0x1010, s4  }
0xdf: {  	[hbm4b:s31+s2] =	stream.linear.scatter [tilespmem:s4], [sflag:$0x1], $0x800, $0x38;
	[tilespmem:$0x10100] =	vst v63  }
0xe0: {  	_ =	swait.ge [sflag:s1], $0x8000  }
0xe1: {  	s24 =	simm.s32 $0xFF;
	[sflag:s1] =	ssyncset.done $0x0  }
.LBB2_4:
0xe2: {  	p0 =	sne.s32 s24, $0x1;
	s24 =	sadd.s32 $0xFFFFFFFF, s24;
	[sflag:s1] =	ssyncadd.s32 $0xFFFF8000  }
.Ltmp1:
0xe3: {  	(pc) =	sbr.rel @p0 .LBB2_4-.Ltmp1, $3  }
0xe4: {  	_ =	sdelay $0x1  }
0xe5: {  	_ =	swait.ge [sflag:s1], $0x8000  }
0xe6: {  	[sflag:s1] =	ssyncset.done $0x0  }
0xe7: {  	s0 =	sadd.s32 $0x1, s0  }
0xe8: {  	p0 =	sne.s32 s0, s23  }
.Ltmp2:
0xe9: {  	_ = 	snop;
	(pc) =	sbr.rel @p0 .LBB2_1-.Ltmp2, $2  }
0xea: {  	_ =	sdelay $0x2  }
0xeb: {  	[sflag:s1] =	ssyncadd.s32 $0xFFFF8000  }
0xec: {  	_ =	sfence.sel $0x180000  }
0xed: {  	[bflag:$0x0] =	sbarrier.arrive $0xFFFF  }
0xee: {  	_ =	strace $0x90000047  }
0xef: {  	s0 =	stileid.u32;
	[bflag:$0x2] =	sbarrier.arrive $0xFFFF  }
0xf0: {  	p0 =	sne.s32 s0, $0x0;
	s0 =	rddreg [dreg:$0x2]  }
0xf1: {  	s0 =	sadd.s32 @!p0 $0x100000, s0  }
0xf2: {  	[sflag:s0] =	ssyncadd.tile.s32 @!p0 $0x1;
	_ =	shalt  }
.Lfunc_end2:
_tile_overlayer_lowered:
.L_overlay_start_2:
0xf3: {  	(tag) =	ssettag $0x2  }
0xf4: {  	s0 =	rddreg [dreg:$0x0];
	s2 =	stileid.u32  }
0xf5: {  	s1 =	rddreg [dreg:$0x1];
	p0 =	sne.s32 s2, $0x0  }
0xf6: {  	s3 =	rddreg [dreg:$0x2];
	[bflag:$0x3] =	sbarrier.arrive $0xFFFF;
	s2 =	simm.s32 @!p0 $0x1C02  }
0xf7: {  	[timem:s3], [sflag:s2] =	dma.local @!p0 [hbm:s0], s1  }
0xf8: {  	s0 =	simm.s32 @!p0 $0x2  }
0xf9: {  	_ =	swait.ge @!p0 [sflag:s0], s1  }
0xfa: {  	s1 =	ssub.s32 @!p0 $0x0, s1;
	[sflag:s0] =	ssyncset.done @!p0 $0x0  }
0xfb: {  	[sflag:s0] =	ssyncadd.s32 @!p0 s1  }
0xfc: {  	[bflag:$0x3] =	sbarrier.arrive $0xFFFF  }
0xfd: {  	_ =	shalt  }

</sc_bundles>
